<compile_context>
chip_gen: v7x
topology: tpu7x:2x2x1
jax: 0.10.2.dev20260603
libtpu: 0.0.44.dev20260713+nightly
codegen_flags: <defaults>
</compile_context>

<pallas_src>
import functools

import jax
import jax.numpy as jnp
from jax import lax
from jax.experimental import pallas as pl
from jax.experimental.pallas import tpu as pltpu
from jax.experimental.pallas import tpu_sc as plsc

_N = 10000
_E = 320000
_D = 128
_NL = 4
_NT = 8
_SPLIT = 6

_NC, _NS = 2, 16
_NW = _NC * _NS
_EPW = _E // _NW
_KW = 80
_KA = 80
_NPAD = 10240
_RPW = _NPAD // _NS

_R = 256
_GRID = _NPAD // _R


def _sc_mesh():
    return plsc.VectorSubcoreMesh(core_axis_name="c", subcore_axis_name="s")


def _sc_deg(dst):

    @functools.partial(
        pl.kernel,
        mesh=_sc_mesh(),
        out_type=jax.ShapeDtypeStruct((_NC * _NPAD,), jnp.float32),
        scratch_types=[
            pltpu.VMEM((_KW,), jnp.int32),
            pltpu.VMEM((_KW,), jnp.float32),
            pltpu.VMEM((_RPW,), jnp.float32),
            pltpu.VMEM_SHARED((_NPAD,), jnp.float32),
        ],
    )
    def k(dst_hbm, out_hbm, idx_v, ones_v, z_v, deg_sh):
        cid = lax.axis_index("c")
        sid = lax.axis_index("s")
        base = (cid * _NS + sid) * _EPW

        @pl.loop(0, _KW, step=16)
        def _(i):
            ones_v[pl.ds(i, 16)] = jnp.full((16,), 1.0, jnp.float32)

        @pl.loop(0, _RPW, step=16)
        def _(i):
            z_v[pl.ds(i, 16)] = jnp.zeros((16,), jnp.float32)

        pltpu.sync_copy(z_v, deg_sh.at[pl.ds(sid * _RPW, _RPW)])
        plsc.subcore_barrier()

        @pl.loop(0, _EPW, step=_KW)
        def _(j):
            pltpu.sync_copy(dst_hbm.at[pl.ds(base + j, _KW)], idx_v)
            pltpu.sync_copy(ones_v, deg_sh.at[idx_v], add=True)

        plsc.subcore_barrier()
        pltpu.sync_copy(deg_sh.at[pl.ds(sid * _RPW, _RPW)], z_v)
        pltpu.sync_copy(z_v, out_hbm.at[pl.ds(cid * _NPAD + sid * _RPW, _RPW)])

    return k(dst).reshape(_NC, _NPAD)


def _sc_agg(h, src, dst):

    @functools.partial(
        pl.kernel,
        mesh=_sc_mesh(),
        out_type=jax.ShapeDtypeStruct((_NC, _NPAD, _D), jnp.float32),
        scratch_types=[
            pltpu.VMEM((_KA,), jnp.int32),
            pltpu.VMEM((_KA,), jnp.int32),
            pltpu.VMEM((_KA, _D), jnp.float32),
            pltpu.VMEM((8, _D), jnp.float32),
            pltpu.VMEM_SHARED((_NPAD, _D), jnp.float32),
            pltpu.SemaphoreType.DMA,
        ],
    )
    def k(h_hbm, src_hbm, dst_hbm, out_hbm, sidx_v, didx_v, rows_v, z_v,
          agg_sh, sem):
        cid = lax.axis_index("c")
        sid = lax.axis_index("s")
        base = (cid * _NS + sid) * _EPW

        @pl.loop(0, 8)
        def _(r):
            @pl.loop(0, _D, step=16)
            def _(i):
                z_v[r, pl.ds(i, 16)] = jnp.zeros((16,), jnp.float32)

        @pl.loop(0, _RPW, step=8)
        def _(r):
            pltpu.sync_copy(z_v, agg_sh.at[pl.ds(sid * _RPW + r, 8)])

        plsc.subcore_barrier()

        @pl.loop(0, _EPW, step=_KA)
        def _(j):
            pltpu.sync_copy(src_hbm.at[pl.ds(base + j, _KA)], sidx_v)
            pltpu.async_copy(h_hbm.at[sidx_v], rows_v, sem).wait()
            pltpu.sync_copy(dst_hbm.at[pl.ds(base + j, _KA)], didx_v)
            pltpu.sync_copy(rows_v, agg_sh.at[didx_v], add=True)

        plsc.subcore_barrier()
        pltpu.sync_copy(agg_sh.at[pl.ds(sid * _RPW, _RPW)],
                        out_hbm.at[cid, pl.ds(sid * _RPW, _RPW)])

    return k(h, src, dst)


def _tc_combine(aggp, lab3d, tim3d):

    def body(aggp_ref, lab_ref, tim_ref, agg_ref, gs_ref, gc_ref):
        i = pl.program_id(0)
        a = aggp_ref[0] + aggp_ref[1]
        agg_ref[...] = a

        @pl.when(i == 0)
        def _():
            gs_ref[...] = jnp.zeros_like(gs_ref)
            gc_ref[...] = jnp.zeros_like(gc_ref)

        g = tim_ref[0, 0, :] * _NL + lab_ref[0, 0, :]
        onehot = (lax.broadcasted_iota(jnp.int32, (_NL * _NT, _R), 0)
                  == g[None, :]).astype(jnp.float32)
        gs_ref[...] += lax.dot_general(onehot, a, (((1,), (0,)), ((), ())),
                                       preferred_element_type=jnp.float32)
        gc_ref[...] += jnp.sum(onehot, axis=1)[:, None]

    return pl.pallas_call(
        body,
        grid=(_GRID,),
        in_specs=[
            pl.BlockSpec((_NC, _R, _D), lambda i: (0, i, 0)),
            pl.BlockSpec((1, 1, _R), lambda i: (i, 0, 0)),
            pl.BlockSpec((1, 1, _R), lambda i: (i, 0, 0)),
        ],
        out_specs=[
            pl.BlockSpec((_R, _D), lambda i: (i, 0)),
            pl.BlockSpec((_NL * _NT, _D), lambda i: (0, 0)),
            pl.BlockSpec((_NL * _NT, _D), lambda i: (0, 0)),
        ],
        out_shape=[
            jax.ShapeDtypeStruct((_NPAD, _D), jnp.float32),
            jax.ShapeDtypeStruct((_NL * _NT, _D), jnp.float32),
            jax.ShapeDtypeStruct((_NL * _NT, _D), jnp.float32),
        ],
    )(aggp, lab3d, tim3d)


def _tc_transform(agg, lab3d, tim3d, norm, t_all, c_all):
    ng = _NL * _SPLIT

    def body(agg_ref, lab_ref, tim_ref, norm_ref, t_ref, c_ref, out_ref,
             cs_ref):
        i = pl.program_id(0)
        x = agg_ref[...]
        lab = lab_ref[0, 0, :]
        tim = tim_ref[0, 0, :]
        train = (tim < _SPLIT) & (lab >= 0)
        gid = jnp.where(train, lab * _SPLIT + tim, ng)
        acc = x * (~train).astype(jnp.float32)[:, None]
        for g in range(ng):
            m = (gid == g).astype(jnp.float32)[:, None]
            xm = x * m
            acc += lax.dot_general(xm, t_ref[g], (((1,), (1,)), ((), ())),
                                   preferred_element_type=jnp.float32)
            acc += m * c_ref[g][None, :]
        out = acc * norm_ref[...]
        out_ref[...] = out

        @pl.when(i == 0)
        def _():
            cs_ref[...] = jnp.zeros_like(cs_ref)

        cs_ref[0, :] += jnp.sum(out, axis=0)
        cs_ref[1, :] += jnp.sum(out * out, axis=0)

    return pl.pallas_call(
        body,
        grid=(_GRID,),
        in_specs=[
            pl.BlockSpec((_R, _D), lambda i: (i, 0)),
            pl.BlockSpec((1, 1, _R), lambda i: (i, 0, 0)),
            pl.BlockSpec((1, 1, _R), lambda i: (i, 0, 0)),
            pl.BlockSpec((_R, 1), lambda i: (i, 0)),
            pl.BlockSpec((ng, _D, _D), lambda i: (0, 0, 0)),
            pl.BlockSpec((ng, _D), lambda i: (0, 0)),
        ],
        out_specs=[
            pl.BlockSpec((_R, _D), lambda i: (i, 0)),
            pl.BlockSpec((2, _D), lambda i: (0, 0)),
        ],
        out_shape=[
            jax.ShapeDtypeStruct((_NPAD, _D), jnp.float32),
            jax.ShapeDtypeStruct((2, _D), jnp.float32),
        ],
    )(agg, lab3d, tim3d, norm, t_all, c_all)


def _tc_final(outv, ws, cvec):
    def body(o_ref, w_ref, c_ref, f_ref):
        f_ref[...] = lax.dot_general(
            o_ref[...], w_ref[...], (((1,), (1,)), ((), ())),
            preferred_element_type=jnp.float32) + c_ref[0][None, :]

    return pl.pallas_call(
        body,
        grid=(_GRID,),
        in_specs=[
            pl.BlockSpec((_R, _D), lambda i: (i, 0)),
            pl.BlockSpec((_D, _D), lambda i: (0, 0)),
            pl.BlockSpec((1, _D), lambda i: (0, 0)),
        ],
        out_specs=pl.BlockSpec((_R, _D), lambda i: (i, 0)),
        out_shape=jax.ShapeDtypeStruct((_NPAD, _D), jnp.float32),
    )(outv, ws, cvec)


def kernel(feat, edge_index, labels, times, P, W, b):
    src = edge_index[0]
    dst = edge_index[1]
    pad = _NPAD - _N
    lab_p = jnp.pad(labels, (0, pad), constant_values=-1)
    tim_p = jnp.pad(times, (0, pad), constant_values=127)
    lab3d = lab_p.reshape(_GRID, 1, _R)
    tim3d = tim_p.reshape(_GRID, 1, _R)

    degp = _sc_deg(dst)

    deg = jnp.clip(degp[0, :_N] + degp[1, :_N], 1.0, None)
    norm = (deg ** -0.5)[:, None]
    h = feat * norm
    prev_cov = []
    for y in range(_NL):
        m = (labels == y).astype(feat.dtype)[:, None]
        cnt = jnp.sum(m)
        mu = jnp.sum(h * m, axis=0) / cnt
        cen = (h - mu[None, :]) * m
        prev_cov.append(cen.T @ cen / (cnt - 1.0))

    c2m = [[2.0 if abs(t2 - t1) > min(_NT - 1 - t1, t1) else 1.0
            for t2 in range(_NT)] for t1 in range(_NT)]
    c4m = [[4.0 if abs(t2 - t1) > min(_NT - 1 - t1, t1) else 1.0
            for t2 in range(_NT)] for t1 in range(_NT)]
    c2f = jnp.asarray(c2m, feat.dtype)
    c4f = jnp.asarray(c4m, feat.dtype)
    Pc2 = P * c2f[None, :, None, :]
    Pc4 = P * c4f[None, :, None, :]
    den = jnp.zeros((_NL, _NT), feat.dtype)
    for y2 in range(_NL):
        for t2 in range(_NT):
            den = den + Pc2[:, :, y2, t2]
    den = den * den
    num = jnp.zeros((_NL, _NT, _NL), feat.dtype)
    for t2 in range(_NT):
        num = num + Pc4[:, :, :, t2]
    temp = num / den[:, :, None]
    pc_stack = jnp.stack(prev_cov)
    cur4 = jnp.zeros((_NL, _NT, _D, _D), feat.dtype)
    for y2 in range(_NL):
        cur4 = cur4 + temp[:, :, y2, None, None] * pc_stack[y2][None, None]
    cur = [[cur4[y1, t1] for t1 in range(_NT)] for y1 in range(_NL)]

    stack = jnp.stack([cur[y][_NT - 1] for y in range(_NL)]
                      + [cur[y][t] for y in range(_NL)
                         for t in range(_SPLIT)])
    L_all, Q_all = jnp.linalg.eigh(stack)
    trans = [[None] * _SPLIT for _ in range(_NL)]
    for y1 in range(_NL):
        A = Q_all[y1] @ jnp.diag(jnp.sqrt(L_all[y1]))
        for t1 in range(_SPLIT):
            k = _NL + y1 * _SPLIT + t1
            trans[y1][t1] = A @ jnp.diag(1.0 / jnp.sqrt(L_all[k])) @ Q_all[k].T
    t_all = jnp.stack([trans[y][t] for y in range(_NL)
                       for t in range(_SPLIT)])

    h_p = jnp.pad(h, ((0, pad), (0, 0)))
    norm_p = jnp.pad(norm, ((0, pad), (0, 0)), constant_values=1.0)
    aggp = _sc_agg(h_p, src, dst)
    agg, gsum, gcnt = _tc_combine(aggp, lab3d, tim3d)

    mean = gsum / jnp.maximum(1.0, gcnt)
    mu_all = jnp.transpose(mean.reshape(_NT, _NL, _D),
                           (1, 0, 2))[:, :_SPLIT].reshape(_NL * _SPLIT, _D)
    c_all = mu_all - jnp.einsum('gd,ged->ge', mu_all, t_all)

    outv, cs = _tc_transform(agg, lab3d, tim3d, norm_p, t_all, c_all)


    m = cs[0] / float(_N)
    var = (cs[1] - float(_N) * m * m) / float(_N - 1)
    s = jnp.sqrt(var)
    ws = W / s[None, :]
    cvec = (b - (m / s) @ W.T)[None, :]

    final = _tc_final(outv, ws, cvec)
    return final[:_N]

# --- scband reference (transcript-rebuilt; emitter-appended) ---
"""Pipeline reference for scband-sgconv-pny-21474836480038 (READ-ONLY COPY).

The authoritative reference and input builder live on the scoring server;
editing this copy changes nothing except your own understanding.
"""

import jax, jax.numpy as jnp
import numpy as np

N = 10000
E = 320000
D = 128
NUM_LABEL = 4
NUM_TIME = 8
SPLIT = 6


def setup_inputs(seed: int = 0) -> dict:
    key = jax.random.key(seed)
    k1, k2, k3, k4, k5, k6 = jax.random.split(key, 6)
    feat = jax.random.normal(k1, (N, D), dtype=jnp.float32)
    edge_index = jax.random.randint(k2, (2, E), 0, N, dtype=jnp.int32)
    labels = jax.random.randint(k3, (N,), 0, NUM_LABEL, dtype=jnp.int32)
    times = jax.random.randint(k4, (N,), 0, NUM_TIME, dtype=jnp.int32)
    P = jax.random.uniform(k5, (NUM_LABEL, NUM_TIME, NUM_LABEL, NUM_TIME), dtype=jnp.float32)
    lim = float(np.sqrt(6.0 / (D + D)))
    W = jax.random.uniform(k6, (D, D), minval=-lim, maxval=lim, dtype=jnp.float32)
    b = jnp.zeros((D,), dtype=jnp.float32)
    return {"feat": feat, "edge_index": edge_index, "labels": labels, "times": times, "P": P, "W": W, "b": b}


def reference(feat, edge_index, labels, times, P, W, b):
    n, d = feat.shape
    src = edge_index[0]
    dst = edge_index[1]
    # symmetric-normalized SGC propagation (edge_weight=None, k=1)
    deg = jax.ops.segment_sum(jnp.ones((src.shape[0],), feat.dtype), dst, num_segments=n)
    deg = jnp.clip(deg, 1.0, None)
    norm = (deg ** -0.5)[:, None]
    h = feat * norm
    prev_x = h
    agg = jax.ops.segment_sum(h[src], dst, num_segments=n)
    # --- PNY normalization ---
    # per-label covariance of prev_x (torch.cov, correction=1)
    prev_cov = []
    for y in range(NUM_LABEL):
        m = (labels == y).astype(feat.dtype)[:, None]
        cnt = jnp.sum(m)
        mu = jnp.sum(prev_x * m, axis=0) / cnt
        cen = (prev_x - mu[None, :]) * m
        prev_cov.append(cen.T @ cen / (cnt - 1.0))
    # current covariance per (label, time)
    cur = []
    for y1 in range(NUM_LABEL):
        row = []
        for t1 in range(NUM_TIME):
            denom = jnp.asarray(0.0, feat.dtype)
            for y2 in range(NUM_LABEL):
                for t2 in range(NUM_TIME):
                    c = 2.0 if abs(t2 - t1) > min(NUM_TIME - 1 - t1, t1) else 1.0
                    denom = denom + P[y1, t1, y2, t2] * c
            denom = denom * denom
            acc = jnp.zeros((d, d), feat.dtype)
            for y2 in range(NUM_LABEL):
                temp = jnp.asarray(0.0, feat.dtype)
                for t2 in range(NUM_TIME):
                    c = 4.0 if abs(t2 - t1) > min(NUM_TIME - 1 - t1, t1) else 1.0
                    temp = temp + P[y1, t1, y2, t2] * c
                temp = temp / denom
                acc = acc + temp * prev_cov[y2]
            row.append(acc)
        cur.append(row)
    # covariance transform matrices via eigendecomposition
    trans = [[None] * NUM_TIME for _ in range(NUM_LABEL)]
    for y1 in range(NUM_LABEL):
        Lm, Qm = jnp.linalg.eigh(cur[y1][NUM_TIME - 1])
        A = Qm @ jnp.diag(jnp.sqrt(Lm))
        for t1 in range(NUM_TIME):
            Lv, Q = jnp.linalg.eigh(cur[y1][t1])
            trans[y1][t1] = A @ jnp.diag(1.0 / jnp.sqrt(Lv)) @ Q.T
    # per-(time,label) means of aggregated features (scatter-add)
    idx = times * NUM_LABEL + labels
    sums = jax.ops.segment_sum(agg, idx, num_segments=NUM_TIME * NUM_LABEL)
    cnts = jax.ops.segment_sum(jnp.ones((n,), feat.dtype), idx, num_segments=NUM_TIME * NUM_LABEL)
    mean = (sums / jnp.maximum(1.0, cnts)[:, None]).reshape(NUM_TIME, NUM_LABEL, d)
    # apply transform to train nodes (times < split) grouped by (label,time)
    clone = agg
    for y in range(NUM_LABEL):
        for t in range(SPLIT):
            m = ((labels == y) & (times == t))[:, None]
            mu = mean[t, y]
            tx = (agg - mu[None, :]) @ trans[y][t].T + mu[None, :]
            clone = jnp.where(m, tx, clone)
    out = clone * norm
    # column-wise normalize (torch std: ddof=1)
    out = (out - out.mean(axis=0)) / jnp.std(out, axis=0, ddof=1)
    return out @ W.T + b

if __name__ == "__main__":
    import jax
    _d = setup_inputs()
    print(jax.jit(kernel)(*tuple(_d.values())))

</pallas_src>

<mosaic_0001>
#map = affine_map<(d0, d1) -> (0, 0)>
#map1 = affine_map<(d0, d1) -> (0)>
#map2 = affine_map<(d0, d1) -> (0, 0, 0)>
module attributes {stable_mosaic.version = 14 : i64} {
  func.func @k(%arg0: i32, %arg1: i32, %arg2: memref<10240x128xf32, #tpu.memory_space<hbm>>, %arg3: memref<320000xi32, #tpu.memory_space<hbm>>, %arg4: memref<320000xi32, #tpu.memory_space<hbm>>, %arg5: memref<2x10240x128xf32, #tpu.memory_space<hbm>>, %arg6: memref<80xi32, #tpu.memory_space<vmem>>, %arg7: memref<80xi32, #tpu.memory_space<vmem>>, %arg8: memref<80x128xf32, #tpu.memory_space<vmem>>, %arg9: memref<8x128xf32, #tpu.memory_space<vmem>>, %arg10: memref<10240x128xf32, #tpu.memory_space<vmem_shared>>, %arg11: memref<!tpu.dma_semaphore, #tpu.memory_space<semaphore_mem>>) attributes {dimension_semantics = [#tpu.dimension_semantics<core_parallel>, #tpu.dimension_semantics<subcore_parallel>], iteration_bounds = array<i64: 2, 16>, scalar_prefetch = 0 : i64, scratch_operands = 6 : i64, tpu.core_type = #tpu.core_type<sc_vector_subcore>, window_params = [{transform_indices = #map}, {transform_indices = #map1}, {transform_indices = #map1}, {transform_indices = #map2}]} {
    %mul3A = arith.constant 16 : i32
    %mul3A_0 = arith.muli %arg0, %mul3A : i32
    %add3A = arith.addi %mul3A_0, %arg1 : i32
    %mul3A_1 = arith.constant 10000 : i32
    %mul3A_2 = arith.muli %add3A, %mul3A_1 : i32
    %scan3A = arith.constant 0 : i32
    %scan3A_3 = arith.constant 8 : i32
    %scan3A_4 = arith.addi %scan3A, %scan3A_3 : i32
    %scan3A_5 = arith.constant 1 : i32
    scf.for %scan3A_22 = %scan3A to %scan3A_4 step %scan3A_5  : i32 {
      %mul3A_23 = arith.constant 1 : i32
      %mul3A_24 = arith.muli %scan3A_22, %mul3A_23 : i32
      %add3A_25 = arith.constant 0 : i32
      %add3A_26 = arith.addi %add3A_25, %mul3A_24 : i32
      %scan3A_27 = arith.constant 0 : i32
      %scan3A_28 = arith.constant 8 : i32
      %scan3A_29 = arith.addi %scan3A_27, %scan3A_28 : i32
      %scan3A_30 = arith.constant 1 : i32
      scf.for %scan3A_32 = %scan3A_27 to %scan3A_29 step %scan3A_30  : i32 {
        %mul3A_33 = arith.constant 16 : i32
        %mul3A_34 = arith.muli %scan3A_32, %mul3A_33 : i32
        %add3A_35 = arith.constant 0 : i32
        %add3A_36 = arith.addi %add3A_35, %mul3A_34 : i32
        %broadcast_in_dim3A = arith.constant 0.000000e+00 : f32
        %broadcast_in_dim3A_37 = vector.broadcast %broadcast_in_dim3A : f32 to vector<16xf32>
        %swap3A = arith.index_cast %add3A_26 : i32 to index
        %swap3A_38 = arith.index_cast %add3A_36 : i32 to index
        %swap3A_39 = tpu.vector_load %arg9[%swap3A, %swap3A_38] {strides = array<i32>} : memref<8x128xf32, #tpu.memory_space<vmem>>, vector<1x16xf32>,
        %swap3A_40 = vector.shape_cast %swap3A_39 : vector<1x16xf32> to vector<16xf32>
        %swap3A_41 = vector.shape_cast %broadcast_in_dim3A_37 : vector<16xf32> to vector<1x16xf32>
        tpu.vector_store %arg9[%swap3A, %swap3A_38], %swap3A_41 {strides = array<i32>} : memref<8x128xf32, #tpu.memory_space<vmem>>, vector<1x16xf32>,
      }
      %scan3A_31 = arith.constant 8 : i32
    }
    %scan3A_6 = arith.constant 8 : i32
    %scan3A_7 = arith.constant 0 : i32
    %scan3A_8 = arith.constant 80 : i32
    %scan3A_9 = arith.addi %scan3A_7, %scan3A_8 : i32
    %scan3A_10 = arith.constant 1 : i32
    scf.for %scan3A_22 = %scan3A_7 to %scan3A_9 step %scan3A_10  : i32 {
      %mul3A_23 = arith.constant 8 : i32
      %mul3A_24 = arith.muli %scan3A_22, %mul3A_23 : i32
      %add3A_25 = arith.constant 0 : i32
      %add3A_26 = arith.addi %add3A_25, %mul3A_24 : i32
      %mul3A_27 = arith.constant 640 : i32
      %mul3A_28 = arith.muli %arg1, %mul3A_27 : i32
      %add3A_29 = arith.addi %mul3A_28, %add3A_26 : i32
      "tpu.region"() ({
        %run_scoped3A = tpu.sem_alloc : memref<!tpu.dma_semaphore, #tpu.memory_space<semaphore_mem>>
        %dma_start3A = arith.constant 0 : i32
        %dma_start3A_30 = tpu.memref_slice %arg10[%add3A_29, %dma_start3A] : memref<10240x128xf32, #tpu.memory_space<vmem_shared>> -> memref<8x128xf32, #tpu.memory_space<vmem_shared>>
        %dma_start3A_31 = arith.constant 0 : i32
        %dma_start3A_32 = tpu.memref_slice %arg10[%add3A_29, %dma_start3A_31] : memref<10240x128xf32, #tpu.memory_space<vmem_shared>> -> memref<8x128xf32, #tpu.memory_space<vmem_shared>>
        tpu.enqueue_dma source(%arg9 : memref<8x128xf32, #tpu.memory_space<vmem>>) target(%dma_start3A_32 : memref<8x128xf32, #tpu.memory_space<vmem_shared>>) target_semaphore(%run_scoped3A : memref<!tpu.dma_semaphore, #tpu.memory_space<semaphore_mem>>)
        %dma_wait3A = arith.constant 0 : i32
        %dma_wait3A_33 = tpu.memref_slice %arg10[%add3A_29, %dma_wait3A] : memref<10240x128xf32, #tpu.memory_space<vmem_shared>> -> memref<8x128xf32, #tpu.memory_space<vmem_shared>>
        %dma_wait3A_34 = arith.constant 0 : i32
        %dma_wait3A_35 = tpu.memref_slice %arg10[%add3A_29, %dma_wait3A_34] : memref<10240x128xf32, #tpu.memory_space<vmem_shared>> -> memref<8x128xf32, #tpu.memory_space<vmem_shared>>
        tpu.wait_dma2 semaphore(%run_scoped3A : memref<!tpu.dma_semaphore, #tpu.memory_space<semaphore_mem>>) src(%arg9 : memref<8x128xf32, #tpu.memory_space<vmem>>) dst(%dma_wait3A_35 : memref<8x128xf32, #tpu.memory_space<vmem_shared>>)
        tpu.yield
      }) : () -> ()
    }
    %scan3A_11 = arith.constant 80 : i32
    %barrier3A = arith.constant 0 : index
    tpu.barrier barrier_id(%barrier3A)
    %scan3A_12 = arith.constant 0 : i32
    %scan3A_13 = arith.constant 125 : i32
    %scan3A_14 = arith.addi %scan3A_12, %scan3A_13 : i32
    %scan3A_15 = arith.constant 1 : i32
    scf.for %scan3A_22 = %scan3A_12 to %scan3A_14 step %scan3A_15  : i32 {
      %mul3A_23 = arith.constant 80 : i32
      %mul3A_24 = arith.muli %scan3A_22, %mul3A_23 : i32
      %add3A_25 = arith.constant 0 : i32
      %add3A_26 = arith.addi %add3A_25, %mul3A_24 : i32
      %add3A_27 = arith.addi %mul3A_2, %add3A_26 : i32
      "tpu.region"() ({
        %run_scoped3A = tpu.sem_alloc : memref<!tpu.dma_semaphore, #tpu.memory_space<semaphore_mem>>
        %dma_start3A_33 = tpu.memref_slice %arg3[%add3A_27] : memref<320000xi32, #tpu.memory_space<hbm>> -> memref<80xi32, #tpu.memory_space<hbm>>
        %dma_start3A_34 = tpu.memref_slice %arg3[%add3A_27] : memref<320000xi32, #tpu.memory_space<hbm>> -> memref<80xi32, #tpu.memory_space<hbm>>
        tpu.enqueue_dma source(%dma_start3A_34 : memref<80xi32, #tpu.memory_space<hbm>>) target(%arg6 : memref<80xi32, #tpu.memory_space<vmem>>) target_semaphore(%run_scoped3A : memref<!tpu.dma_semaphore, #tpu.memory_space<semaphore_mem>>)
        %dma_wait3A_35 = tpu.memref_slice %arg3[%add3A_27] : memref<320000xi32, #tpu.memory_space<hbm>> -> memref<80xi32, #tpu.memory_space<hbm>>
        %dma_wait3A_36 = tpu.memref_slice %arg3[%add3A_27] : memref<320000xi32, #tpu.memory_space<hbm>> -> memref<80xi32, #tpu.memory_space<hbm>>
        tpu.wait_dma2 semaphore(%run_scoped3A : memref<!tpu.dma_semaphore, #tpu.memory_space<semaphore_mem>>) src(%dma_wait3A_36 : memref<80xi32, #tpu.memory_space<hbm>>) dst(%arg6 : memref<80xi32, #tpu.memory_space<vmem>>)
        tpu.yield
      }) : () -> ()
      %dma_start3A = arith.constant 0 : i32
      %dma_start3A_28 = arith.constant 0 : i32
      %dma_start3A_29 = tpu.memref_slice %arg2[%dma_start3A, %dma_start3A_28] : memref<10240x128xf32, #tpu.memory_space<hbm>> -> memref<10240x128xf32, #tpu.memory_space<hbm>>
      tpu.enqueue_indirect_dma source(%dma_start3A_29 : memref<10240x128xf32, #tpu.memory_space<hbm>>) target(%arg8 : memref<80x128xf32, #tpu.memory_space<vmem>>) offsets(%arg6 : memref<80xi32, #tpu.memory_space<vmem>>) semaphore(%arg11 : memref<!tpu.dma_semaphore, #tpu.memory_space<semaphore_mem>>)
      %dma_wait3A = arith.constant 0 : i32
      %dma_wait3A_30 = arith.constant 0 : i32
      %dma_wait3A_31 = tpu.memref_slice %arg2[%dma_wait3A, %dma_wait3A_30] : memref<10240x128xf32, #tpu.memory_space<hbm>> -> memref<10240x128xf32, #tpu.memory_space<hbm>>
      tpu.wait_indirect_dma semaphore(%arg11 : memref<!tpu.dma_semaphore, #tpu.memory_space<semaphore_mem>>) src(%dma_wait3A_31 : memref<10240x128xf32, #tpu.memory_space<hbm>>) dst(%arg8 : memref<80x128xf32, #tpu.memory_space<vmem>>)
      %add3A_32 = arith.addi %mul3A_2, %add3A_26 : i32
      "tpu.region"() ({
        %run_scoped3A = tpu.sem_alloc : memref<!tpu.dma_semaphore, #tpu.memory_space<semaphore_mem>>
        %dma_start3A_33 = tpu.memref_slice %arg4[%add3A_32] : memref<320000xi32, #tpu.memory_space<hbm>> -> memref<80xi32, #tpu.memory_space<hbm>>
        %dma_start3A_34 = tpu.memref_slice %arg4[%add3A_32] : memref<320000xi32, #tpu.memory_space<hbm>> -> memref<80xi32, #tpu.memory_space<hbm>>
        tpu.enqueue_dma source(%dma_start3A_34 : memref<80xi32, #tpu.memory_space<hbm>>) target(%arg7 : memref<80xi32, #tpu.memory_space<vmem>>) target_semaphore(%run_scoped3A : memref<!tpu.dma_semaphore, #tpu.memory_space<semaphore_mem>>)
        %dma_wait3A_35 = tpu.memref_slice %arg4[%add3A_32] : memref<320000xi32, #tpu.memory_space<hbm>> -> memref<80xi32, #tpu.memory_space<hbm>>
        %dma_wait3A_36 = tpu.memref_slice %arg4[%add3A_32] : memref<320000xi32, #tpu.memory_space<hbm>> -> memref<80xi32, #tpu.memory_space<hbm>>
        tpu.wait_dma2 semaphore(%run_scoped3A : memref<!tpu.dma_semaphore, #tpu.memory_space<semaphore_mem>>) src(%dma_wait3A_36 : memref<80xi32, #tpu.memory_space<hbm>>) dst(%arg7 : memref<80xi32, #tpu.memory_space<vmem>>)
        tpu.yield
      }) : () -> ()
      "tpu.region"() ({
        %run_scoped3A = tpu.sem_alloc : memref<!tpu.dma_semaphore, #tpu.memory_space<semaphore_mem>>
        %dma_start3A_33 = arith.constant 0 : i32
        %dma_start3A_34 = arith.constant 0 : i32
        %dma_start3A_35 = tpu.memref_slice %arg10[%dma_start3A_33, %dma_start3A_34] : memref<10240x128xf32, #tpu.memory_space<vmem_shared>> -> memref<10240x128xf32, #tpu.memory_space<vmem_shared>>
        tpu.enqueue_indirect_dma source(%arg8 : memref<80x128xf32, #tpu.memory_space<vmem>>) target(%dma_start3A_35 : memref<10240x128xf32, #tpu.memory_space<vmem_shared>>) offsets(%arg7 : memref<80xi32, #tpu.memory_space<vmem>>) semaphore(%run_scoped3A : memref<!tpu.dma_semaphore, #tpu.memory_space<semaphore_mem>>) {add = true}
        %dma_wait3A_36 = arith.constant 0 : i32
        %dma_wait3A_37 = arith.constant 0 : i32
        %dma_wait3A_38 = tpu.memref_slice %arg10[%dma_wait3A_36, %dma_wait3A_37] : memref<10240x128xf32, #tpu.memory_space<vmem_shared>> -> memref<10240x128xf32, #tpu.memory_space<vmem_shared>>
        tpu.wait_indirect_dma semaphore(%run_scoped3A : memref<!tpu.dma_semaphore, #tpu.memory_space<semaphore_mem>>) src(%arg8 : memref<80x128xf32, #tpu.memory_space<vmem>>) dst(%dma_wait3A_38 : memref<10240x128xf32, #tpu.memory_space<vmem_shared>>)
        tpu.yield
      }) : () -> ()
    }
    %scan3A_16 = arith.constant 125 : i32
    %barrier3A_17 = arith.constant 0 : index
    tpu.barrier barrier_id(%barrier3A_17)
    %mul3A_18 = arith.constant 640 : i32
    %mul3A_19 = arith.muli %arg1, %mul3A_18 : i32
    %mul3A_20 = arith.constant 640 : i32
    %mul3A_21 = arith.muli %arg1, %mul3A_20 : i32
    "tpu.region"() ({
      %run_scoped3A = tpu.sem_alloc : memref<!tpu.dma_semaphore, #tpu.memory_space<semaphore_mem>>
      %dma_start3A = arith.constant 0 : i32
      %dma_start3A_22 = tpu.memref_slice %arg5[%arg0, %mul3A_21, %dma_start3A] : memref<2x10240x128xf32, #tpu.memory_space<hbm>> -> memref<1x640x128xf32, #tpu.memory_space<hbm>>
      %dma_start3A_23 = tpu.memref_squeeze %dma_start3A_22 : memref<1x640x128xf32, #tpu.memory_space<hbm>> -> memref<640x128xf32, #tpu.memory_space<hbm>>
      %dma_start3A_24 = arith.constant 0 : i32
      %dma_start3A_25 = tpu.memref_slice %arg10[%mul3A_19, %dma_start3A_24] : memref<10240x128xf32, #tpu.memory_space<vmem_shared>> -> memref<640x128xf32, #tpu.memory_space<vmem_shared>>
      tpu.enqueue_dma source(%dma_start3A_25 : memref<640x128xf32, #tpu.memory_space<vmem_shared>>) target(%dma_start3A_23 : memref<640x128xf32, #tpu.memory_space<hbm>>) target_semaphore(%run_scoped3A : memref<!tpu.dma_semaphore, #tpu.memory_space<semaphore_mem>>)
      %dma_wait3A = arith.constant 0 : i32
      %dma_wait3A_26 = tpu.memref_slice %arg5[%arg0, %mul3A_21, %dma_wait3A] : memref<2x10240x128xf32, #tpu.memory_space<hbm>> -> memref<1x640x128xf32, #tpu.memory_space<hbm>>
      %dma_wait3A_27 = tpu.memref_squeeze %dma_wait3A_26 : memref<1x640x128xf32, #tpu.memory_space<hbm>> -> memref<640x128xf32, #tpu.memory_space<hbm>>
      %dma_wait3A_28 = arith.constant 0 : i32
      %dma_wait3A_29 = tpu.memref_slice %arg10[%mul3A_19, %dma_wait3A_28] : memref<10240x128xf32, #tpu.memory_space<vmem_shared>> -> memref<640x128xf32, #tpu.memory_space<vmem_shared>>
      tpu.wait_dma2 semaphore(%run_scoped3A : memref<!tpu.dma_semaphore, #tpu.memory_space<semaphore_mem>>) src(%dma_wait3A_29 : memref<640x128xf32, #tpu.memory_space<vmem_shared>>) dst(%dma_wait3A_27 : memref<640x128xf32, #tpu.memory_space<hbm>>)
      tpu.yield
    }) : () -> ()
    return
  }
}

#map = affine_map<(d0, d1) -> (0)>
module attributes {stable_mosaic.version = 14 : i64} {
  func.func @k(%arg0: i32, %arg1: i32, %arg2: memref<320000xi32, #tpu.memory_space<hbm>>, %arg3: memref<20480xf32, #tpu.memory_space<hbm>>, %arg4: memref<80xi32, #tpu.memory_space<vmem>>, %arg5: memref<80xf32, #tpu.memory_space<vmem>>, %arg6: memref<640xf32, #tpu.memory_space<vmem>>, %arg7: memref<10240xf32, #tpu.memory_space<vmem_shared>>) attributes {dimension_semantics = [#tpu.dimension_semantics<core_parallel>, #tpu.dimension_semantics<subcore_parallel>], iteration_bounds = array<i64: 2, 16>, scalar_prefetch = 0 : i64, scratch_operands = 4 : i64, tpu.core_type = #tpu.core_type<sc_vector_subcore>, window_params = [{transform_indices = #map}, {transform_indices = #map}]} {
    %mul3A = arith.constant 16 : i32
    %mul3A_0 = arith.muli %arg0, %mul3A : i32
    %add3A = arith.addi %mul3A_0, %arg1 : i32
    %mul3A_1 = arith.constant 10000 : i32
    %mul3A_2 = arith.muli %add3A, %mul3A_1 : i32
    %scan3A = arith.constant 0 : i32
    %scan3A_3 = arith.constant 5 : i32
    %scan3A_4 = arith.addi %scan3A, %scan3A_3 : i32
    %scan3A_5 = arith.constant 1 : i32
    scf.for %scan3A_27 = %scan3A to %scan3A_4 step %scan3A_5  : i32 {
      %mul3A_28 = arith.constant 16 : i32
      %mul3A_29 = arith.muli %scan3A_27, %mul3A_28 : i32
      %add3A_30 = arith.constant 0 : i32
      %add3A_31 = arith.addi %add3A_30, %mul3A_29 : i32
      %broadcast_in_dim3A = arith.constant 1.000000e+00 : f32
      %broadcast_in_dim3A_32 = vector.broadcast %broadcast_in_dim3A : f32 to vector<16xf32>
      %swap3A = arith.index_cast %add3A_31 : i32 to index
      %swap3A_33 = tpu.vector_load %arg5[%swap3A] {strides = array<i32>} : memref<80xf32, #tpu.memory_space<vmem>>, vector<16xf32>,
      %swap3A_34 = vector.shape_cast %swap3A_33 : vector<16xf32> to vector<16xf32>
      %swap3A_35 = vector.shape_cast %broadcast_in_dim3A_32 : vector<16xf32> to vector<16xf32>
      tpu.vector_store %arg5[%swap3A], %swap3A_35 {strides = array<i32>} : memref<80xf32, #tpu.memory_space<vmem>>, vector<16xf32>,
    }
    %scan3A_6 = arith.constant 5 : i32
    %scan3A_7 = arith.constant 0 : i32
    %scan3A_8 = arith.constant 40 : i32
    %scan3A_9 = arith.addi %scan3A_7, %scan3A_8 : i32
    %scan3A_10 = arith.constant 1 : i32
    scf.for %scan3A_27 = %scan3A_7 to %scan3A_9 step %scan3A_10  : i32 {
      %mul3A_28 = arith.constant 16 : i32
      %mul3A_29 = arith.muli %scan3A_27, %mul3A_28 : i32
      %add3A_30 = arith.constant 0 : i32
      %add3A_31 = arith.addi %add3A_30, %mul3A_29 : i32
      %broadcast_in_dim3A = arith.constant 0.000000e+00 : f32
      %broadcast_in_dim3A_32 = vector.broadcast %broadcast_in_dim3A : f32 to vector<16xf32>
      %swap3A = arith.index_cast %add3A_31 : i32 to index
      %swap3A_33 = tpu.vector_load %arg6[%swap3A] {strides = array<i32>} : memref<640xf32, #tpu.memory_space<vmem>>, vector<16xf32>,
      %swap3A_34 = vector.shape_cast %swap3A_33 : vector<16xf32> to vector<16xf32>
      %swap3A_35 = vector.shape_cast %broadcast_in_dim3A_32 : vector<16xf32> to vector<16xf32>
      tpu.vector_store %arg6[%swap3A], %swap3A_35 {strides = array<i32>} : memref<640xf32, #tpu.memory_space<vmem>>, vector<16xf32>,
    }
    %scan3A_11 = arith.constant 40 : i32
    %mul3A_12 = arith.constant 640 : i32
    %mul3A_13 = arith.muli %arg1, %mul3A_12 : i32
    "tpu.region"() ({
      %run_scoped3A = tpu.sem_alloc : memref<!tpu.dma_semaphore, #tpu.memory_space<semaphore_mem>>
      %dma_start3A = tpu.memref_slice %arg7[%mul3A_13] : memref<10240xf32, #tpu.memory_space<vmem_shared>> -> memref<640xf32, #tpu.memory_space<vmem_shared>>
      %dma_start3A_27 = tpu.memref_slice %arg7[%mul3A_13] : memref<10240xf32, #tpu.memory_space<vmem_shared>> -> memref<640xf32, #tpu.memory_space<vmem_shared>>
      tpu.enqueue_dma source(%arg6 : memref<640xf32, #tpu.memory_space<vmem>>) target(%dma_start3A_27 : memref<640xf32, #tpu.memory_space<vmem_shared>>) target_semaphore(%run_scoped3A : memref<!tpu.dma_semaphore, #tpu.memory_space<semaphore_mem>>)
      %dma_wait3A = tpu.memref_slice %arg7[%mul3A_13] : memref<10240xf32, #tpu.memory_space<vmem_shared>> -> memref<640xf32, #tpu.memory_space<vmem_shared>>
      %dma_wait3A_28 = tpu.memref_slice %arg7[%mul3A_13] : memref<10240xf32, #tpu.memory_space<vmem_shared>> -> memref<640xf32, #tpu.memory_space<vmem_shared>>
      tpu.wait_dma2 semaphore(%run_scoped3A : memref<!tpu.dma_semaphore, #tpu.memory_space<semaphore_mem>>) src(%arg6 : memref<640xf32, #tpu.memory_space<vmem>>) dst(%dma_wait3A_28 : memref<640xf32, #tpu.memory_space<vmem_shared>>)
      tpu.yield
    }) : () -> ()
    %barrier3A = arith.constant 0 : index
    tpu.barrier barrier_id(%barrier3A)
    %scan3A_14 = arith.constant 0 : i32
    %scan3A_15 = arith.constant 125 : i32
    %scan3A_16 = arith.addi %scan3A_14, %scan3A_15 : i32
    %scan3A_17 = arith.constant 1 : i32
    scf.for %scan3A_27 = %scan3A_14 to %scan3A_16 step %scan3A_17  : i32 {
      %mul3A_28 = arith.constant 80 : i32
      %mul3A_29 = arith.muli %scan3A_27, %mul3A_28 : i32
      %add3A_30 = arith.constant 0 : i32
      %add3A_31 = arith.addi %add3A_30, %mul3A_29 : i32
      %add3A_32 = arith.addi %mul3A_2, %add3A_31 : i32
      "tpu.region"() ({
        %run_scoped3A = tpu.sem_alloc : memref<!tpu.dma_semaphore, #tpu.memory_space<semaphore_mem>>
        %dma_start3A = tpu.memref_slice %arg2[%add3A_32] : memref<320000xi32, #tpu.memory_space<hbm>> -> memref<80xi32, #tpu.memory_space<hbm>>
        %dma_start3A_33 = tpu.memref_slice %arg2[%add3A_32] : memref<320000xi32, #tpu.memory_space<hbm>> -> memref<80xi32, #tpu.memory_space<hbm>>
        tpu.enqueue_dma source(%dma_start3A_33 : memref<80xi32, #tpu.memory_space<hbm>>) target(%arg4 : memref<80xi32, #tpu.memory_space<vmem>>) target_semaphore(%run_scoped3A : memref<!tpu.dma_semaphore, #tpu.memory_space<semaphore_mem>>)
        %dma_wait3A = tpu.memref_slice %arg2[%add3A_32] : memref<320000xi32, #tpu.memory_space<hbm>> -> memref<80xi32, #tpu.memory_space<hbm>>
        %dma_wait3A_34 = tpu.memref_slice %arg2[%add3A_32] : memref<320000xi32, #tpu.memory_space<hbm>> -> memref<80xi32, #tpu.memory_space<hbm>>
        tpu.wait_dma2 semaphore(%run_scoped3A : memref<!tpu.dma_semaphore, #tpu.memory_space<semaphore_mem>>) src(%dma_wait3A_34 : memref<80xi32, #tpu.memory_space<hbm>>) dst(%arg4 : memref<80xi32, #tpu.memory_space<vmem>>)
        tpu.yield
      }) : () -> ()
      "tpu.region"() ({
        %run_scoped3A = tpu.sem_alloc : memref<!tpu.dma_semaphore, #tpu.memory_space<semaphore_mem>>
        %dma_start3A = arith.constant 0 : i32
        %dma_start3A_33 = tpu.memref_slice %arg7[%dma_start3A] : memref<10240xf32, #tpu.memory_space<vmem_shared>> -> memref<10240xf32, #tpu.memory_space<vmem_shared>>
        tpu.enqueue_indirect_dma source(%arg5 : memref<80xf32, #tpu.memory_space<vmem>>) target(%dma_start3A_33 : memref<10240xf32, #tpu.memory_space<vmem_shared>>) offsets(%arg4 : memref<80xi32, #tpu.memory_space<vmem>>) semaphore(%run_scoped3A : memref<!tpu.dma_semaphore, #tpu.memory_space<semaphore_mem>>) {add = true}
        %dma_wait3A = arith.constant 0 : i32
        %dma_wait3A_34 = tpu.memref_slice %arg7[%dma_wait3A] : memref<10240xf32, #tpu.memory_space<vmem_shared>> -> memref<10240xf32, #tpu.memory_space<vmem_shared>>
        tpu.wait_indirect_dma semaphore(%run_scoped3A : memref<!tpu.dma_semaphore, #tpu.memory_space<semaphore_mem>>) src(%arg5 : memref<80xf32, #tpu.memory_space<vmem>>) dst(%dma_wait3A_34 : memref<10240xf32, #tpu.memory_space<vmem_shared>>)
        tpu.yield
      }) : () -> ()
    }
    %scan3A_18 = arith.constant 125 : i32
    %barrier3A_19 = arith.constant 0 : index
    tpu.barrier barrier_id(%barrier3A_19)
    %mul3A_20 = arith.constant 640 : i32
    %mul3A_21 = arith.muli %arg1, %mul3A_20 : i32
    "tpu.region"() ({
      %run_scoped3A = tpu.sem_alloc : memref<!tpu.dma_semaphore, #tpu.memory_space<semaphore_mem>>
      %dma_start3A = tpu.memref_slice %arg7[%mul3A_21] : memref<10240xf32, #tpu.memory_space<vmem_shared>> -> memref<640xf32, #tpu.memory_space<vmem_shared>>
      %dma_start3A_27 = tpu.memref_slice %arg7[%mul3A_21] : memref<10240xf32, #tpu.memory_space<vmem_shared>> -> memref<640xf32, #tpu.memory_space<vmem_shared>>
      tpu.enqueue_dma source(%dma_start3A_27 : memref<640xf32, #tpu.memory_space<vmem_shared>>) target(%arg6 : memref<640xf32, #tpu.memory_space<vmem>>) target_semaphore(%run_scoped3A : memref<!tpu.dma_semaphore, #tpu.memory_space<semaphore_mem>>)
      %dma_wait3A = tpu.memref_slice %arg7[%mul3A_21] : memref<10240xf32, #tpu.memory_space<vmem_shared>> -> memref<640xf32, #tpu.memory_space<vmem_shared>>
      %dma_wait3A_28 = tpu.memref_slice %arg7[%mul3A_21] : memref<10240xf32, #tpu.memory_space<vmem_shared>> -> memref<640xf32, #tpu.memory_space<vmem_shared>>
      tpu.wait_dma2 semaphore(%run_scoped3A : memref<!tpu.dma_semaphore, #tpu.memory_space<semaphore_mem>>) src(%dma_wait3A_28 : memref<640xf32, #tpu.memory_space<vmem_shared>>) dst(%arg6 : memref<640xf32, #tpu.memory_space<vmem>>)
      tpu.yield
    }) : () -> ()
    %mul3A_22 = arith.constant 10240 : i32
    %mul3A_23 = arith.muli %arg0, %mul3A_22 : i32
    %mul3A_24 = arith.constant 640 : i32
    %mul3A_25 = arith.muli %arg1, %mul3A_24 : i32
    %add3A_26 = arith.addi %mul3A_23, %mul3A_25 : i32
    "tpu.region"() ({
      %run_scoped3A = tpu.sem_alloc : memref<!tpu.dma_semaphore, #tpu.memory_space<semaphore_mem>>
      %dma_start3A = tpu.memref_slice %arg3[%add3A_26] : memref<20480xf32, #tpu.memory_space<hbm>> -> memref<640xf32, #tpu.memory_space<hbm>>
      %dma_start3A_27 = tpu.memref_slice %arg3[%add3A_26] : memref<20480xf32, #tpu.memory_space<hbm>> -> memref<640xf32, #tpu.memory_space<hbm>>
      tpu.enqueue_dma source(%arg6 : memref<640xf32, #tpu.memory_space<vmem>>) target(%dma_start3A_27 : memref<640xf32, #tpu.memory_space<hbm>>) target_semaphore(%run_scoped3A : memref<!tpu.dma_semaphore, #tpu.memory_space<semaphore_mem>>)
      %dma_wait3A = tpu.memref_slice %arg3[%add3A_26] : memref<20480xf32, #tpu.memory_space<hbm>> -> memref<640xf32, #tpu.memory_space<hbm>>
      %dma_wait3A_28 = tpu.memref_slice %arg3[%add3A_26] : memref<20480xf32, #tpu.memory_space<hbm>> -> memref<640xf32, #tpu.memory_space<hbm>>
      tpu.wait_dma2 semaphore(%run_scoped3A : memref<!tpu.dma_semaphore, #tpu.memory_space<semaphore_mem>>) src(%arg6 : memref<640xf32, #tpu.memory_space<vmem>>) dst(%dma_wait3A_28 : memref<640xf32, #tpu.memory_space<hbm>>)
      tpu.yield
    }) : () -> ()
    return
  }
}

module attributes {stable_mosaic.version = 14 : i64} {
  func.func @body(%arg0: i32, %arg1: memref<2x256x128xf32, #tpu.memory_space<vmem>>, %arg2: memref<1x1x256xi32, #tpu.memory_space<vmem>>, %arg3: memref<1x1x256xi32, #tpu.memory_space<vmem>>, %arg4: memref<256x128xf32, #tpu.memory_space<vmem>>, %arg5: memref<32x128xf32, #tpu.memory_space<vmem>>, %arg6: memref<32x128xf32, #tpu.memory_space<vmem>>) attributes {dimension_semantics = [#tpu.dimension_semantics<arbitrary>], iteration_bounds = array<i64: 40>, scalar_prefetch = 0 : i64, scratch_operands = 0 : i64, tpu.core_type = #tpu.core_type<tc>, window_params = [{transform_indices = @transform_0, window_bounds = array<i64: 2, 256, 128>}, {transform_indices = @transform_1, window_bounds = array<i64: 1, 1, 256>}, {transform_indices = @transform_2, window_bounds = array<i64: 1, 1, 256>}, {transform_indices = @transform_3, window_bounds = array<i64: 256, 128>}, {pipeline_mode = #tpu.pipeline_mode<synchronous>, transform_indices = @transform_4, window_bounds = array<i64: 32, 128>}, {pipeline_mode = #tpu.pipeline_mode<synchronous>, transform_indices = @transform_5, window_bounds = array<i64: 32, 128>}]} {
    %get3A = arith.constant 0 : index
    %get3A_0 = arith.constant 0 : index
    %get3A_1 = arith.constant 0 : index
    %get3A_2 = vector.load %arg1[%get3A, %get3A_0, %get3A_1] : memref<2x256x128xf32, #tpu.memory_space<vmem>>, vector<1x256x128xf32>
    %get3A_3 = vector.shape_cast %get3A_2 : vector<1x256x128xf32> to vector<256x128xf32>
    %get3A_4 = arith.constant 1 : index
    %get3A_5 = arith.constant 0 : index
    %get3A_6 = arith.constant 0 : index
    %get3A_7 = vector.load %arg1[%get3A_4, %get3A_5, %get3A_6] : memref<2x256x128xf32, #tpu.memory_space<vmem>>, vector<1x256x128xf32>
    %get3A_8 = vector.shape_cast %get3A_7 : vector<1x256x128xf32> to vector<256x128xf32>
    %add3A = arith.addf %get3A_3, %get3A_8 : vector<256x128xf32>
    %swap3A = arith.constant 0 : index
    %swap3A_9 = arith.constant 0 : index
    %swap3A_10 = vector.load %arg4[%swap3A, %swap3A_9] : memref<256x128xf32, #tpu.memory_space<vmem>>, vector<256x128xf32>
    tpu.vector_store %arg4[%swap3A, %swap3A_9], %add3A {strides = array<i32>} : memref<256x128xf32, #tpu.memory_space<vmem>>, vector<256x128xf32>,
    %eq3A = arith.constant 0 : i32
    %eq3A_11 = arith.cmpi eq, %arg0, %eq3A : i32
    %convert_element_type3A = arith.extui %eq3A_11 : i1 to i32
    %cond3A = arith.constant 0 : i32
    %cond3A_12 = arith.cmpi ne, %convert_element_type3A, %cond3A : i32
    scf.if %cond3A_12 {
      %broadcast_in_dim3A_48 = arith.constant 0.000000e+00 : f32
      %broadcast_in_dim3A_49 = vector.broadcast %broadcast_in_dim3A_48 : f32 to vector<32x128xf32>
      %swap3A_50 = arith.constant 0 : index
      %swap3A_51 = arith.constant 0 : index
      %swap3A_52 = vector.load %arg5[%swap3A_50, %swap3A_51] : memref<32x128xf32, #tpu.memory_space<vmem>>, vector<32x128xf32>
      tpu.vector_store %arg5[%swap3A_50, %swap3A_51], %broadcast_in_dim3A_49 {strides = array<i32>} : memref<32x128xf32, #tpu.memory_space<vmem>>, vector<32x128xf32>,
      %broadcast_in_dim3A_53 = arith.constant 0.000000e+00 : f32
      %broadcast_in_dim3A_54 = vector.broadcast %broadcast_in_dim3A_53 : f32 to vector<32x128xf32>
      %swap3A_55 = arith.constant 0 : index
      %swap3A_56 = arith.constant 0 : index
      %swap3A_57 = vector.load %arg6[%swap3A_55, %swap3A_56] : memref<32x128xf32, #tpu.memory_space<vmem>>, vector<32x128xf32>
      tpu.vector_store %arg6[%swap3A_55, %swap3A_56], %broadcast_in_dim3A_54 {strides = array<i32>} : memref<32x128xf32, #tpu.memory_space<vmem>>, vector<32x128xf32>,
    } else {
    }
    %get3A_13 = arith.constant 0 : index
    %get3A_14 = arith.constant 0 : index
    %get3A_15 = arith.constant 0 : index
    %get3A_16 = vector.load %arg3[%get3A_13, %get3A_14, %get3A_15] : memref<1x1x256xi32, #tpu.memory_space<vmem>>, vector<1x1x256xi32>
    %get3A_17 = vector.shape_cast %get3A_16 : vector<1x1x256xi32> to vector<256xi32>
    %mul3A = arith.constant 4 : i32
    %mul3A_18 = vector.broadcast %mul3A : i32 to vector<256xi32>
    %mul3A_19 = arith.muli %get3A_17, %mul3A_18 : vector<256xi32>
    %get3A_20 = arith.constant 0 : index
    %get3A_21 = arith.constant 0 : index
    %get3A_22 = arith.constant 0 : index
    %get3A_23 = vector.load %arg2[%get3A_20, %get3A_21, %get3A_22] : memref<1x1x256xi32, #tpu.memory_space<vmem>>, vector<1x1x256xi32>
    %get3A_24 = vector.shape_cast %get3A_23 : vector<1x1x256xi32> to vector<256xi32>
    %add3A_25 = arith.addi %mul3A_19, %get3A_24 : vector<256xi32>
    %iota3A = tpu.iota {dimensions = array<i32: 0>} : vector<32x256xi32>
    %broadcast_in_dim3A = vector.shape_cast %add3A_25 : vector<256xi32> to vector<1x256xi32>
    %eq3A_26 = vector.broadcast %broadcast_in_dim3A : vector<1x256xi32> to vector<32x256xi32>
    %eq3A_27 = arith.cmpi eq, %iota3A, %eq3A_26 : vector<32x256xi32>
    %convert_element_type3A_28 = arith.extui %eq3A_27 : vector<32x256xi1> to vector<32x256xi32>
    %convert_element_type3A_29 = arith.sitofp %convert_element_type3A_28 : vector<32x256xi32> to vector<32x256xf32>
    %get3A_30 = arith.constant 0 : index
    %get3A_31 = arith.constant 0 : index
    %get3A_32 = vector.load %arg5[%get3A_30, %get3A_31] : memref<32x128xf32, #tpu.memory_space<vmem>>, vector<32x128xf32>
    %dot_general3A = arith.constant dense<0.000000e+00> : vector<32x128xf32>
    %dot_general3A_33 = tpu.matmul %convert_element_type3A_29, %add3A, %dot_general3A {dimension_numbers = #tpu.dot_dimension_numbers<[1], [0], [0], [1], [0, 0, 1, 1], [], []>, transpose_lhs_hint = false} : vector<32x256xf32>, vector<256x128xf32>, vector<32x128xf32> -> vector<32x128xf32>
    %add3A_34 = arith.addf %get3A_32, %dot_general3A_33 : vector<32x128xf32>
    %swap3A_35 = arith.constant 0 : index
    %swap3A_36 = arith.constant 0 : index
    %swap3A_37 = vector.load %arg5[%swap3A_35, %swap3A_36] : memref<32x128xf32, #tpu.memory_space<vmem>>, vector<32x128xf32>
    tpu.vector_store %arg5[%swap3A_35, %swap3A_36], %add3A_34 {strides = array<i32>} : memref<32x128xf32, #tpu.memory_space<vmem>>, vector<32x128xf32>,
    %get3A_38 = arith.constant 0 : index
    %get3A_39 = arith.constant 0 : index
    %get3A_40 = vector.load %arg6[%get3A_38, %get3A_39] : memref<32x128xf32, #tpu.memory_space<vmem>>, vector<32x128xf32>
    %reduce_sum3A = arith.constant dense<0.000000e+00> : vector<32xf32>
    %reduce_sum3A_41 = vector.multi_reduction <add>, %convert_element_type3A_29, %reduce_sum3A [1] : vector<32x256xf32> to vector<32xf32>
    %broadcast_in_dim3A_42 = vector.shape_cast %reduce_sum3A_41 : vector<32xf32> to vector<32x1xf32>
    %add3A_43 = vector.broadcast %broadcast_in_dim3A_42 : vector<32x1xf32> to vector<32x128xf32>
    %add3A_44 = arith.addf %get3A_40, %add3A_43 : vector<32x128xf32>
    %swap3A_45 = arith.constant 0 : index
    %swap3A_46 = arith.constant 0 : index
    %swap3A_47 = vector.load %arg6[%swap3A_45, %swap3A_46] : memref<32x128xf32, #tpu.memory_space<vmem>>, vector<32x128xf32>
    tpu.vector_store %arg6[%swap3A_45, %swap3A_46], %add3A_44 {strides = array<i32>} : memref<32x128xf32, #tpu.memory_space<vmem>>, vector<32x128xf32>,
    return
  }
  func.func @transform_0(%arg0: i32) -> (i32, i32, i32) {
    %c0_i32 = arith.constant 0 : i32
    %c0_i32_0 = arith.constant 0 : i32
    %c0_i32_1 = arith.constant 0 : i32
    return %c0_i32, %arg0, %c0_i32_0 : i32, i32, i32
  }
  func.func @transform_1(%arg0: i32) -> (i32, i32, i32) {
    %c0_i32 = arith.constant 0 : i32
    %c0_i32_0 = arith.constant 0 : i32
    %c0_i32_1 = arith.constant 0 : i32
    return %arg0, %c0_i32, %c0_i32_0 : i32, i32, i32
  }
  func.func @transform_2(%arg0: i32) -> (i32, i32, i32) {
    %c0_i32 = arith.constant 0 : i32
    %c0_i32_0 = arith.constant 0 : i32
    %c0_i32_1 = arith.constant 0 : i32
    return %arg0, %c0_i32, %c0_i32_0 : i32, i32, i32
  }
  func.func @transform_3(%arg0: i32) -> (i32, i32) {
    %c0_i32 = arith.constant 0 : i32
    %c0_i32_0 = arith.constant 0 : i32
    return %arg0, %c0_i32 : i32, i32
  }
  func.func @transform_4(%arg0: i32) -> (i32, i32) {
    %c0_i32 = arith.constant 0 : i32
    %c0_i32_0 = arith.constant 0 : i32
    %c0_i32_1 = arith.constant 0 : i32
    return %c0_i32, %c0_i32_0 : i32, i32
  }
  func.func @transform_5(%arg0: i32) -> (i32, i32) {
    %c0_i32 = arith.constant 0 : i32
    %c0_i32_0 = arith.constant 0 : i32
    %c0_i32_1 = arith.constant 0 : i32
    return %c0_i32, %c0_i32_0 : i32, i32
  }
}

module attributes {stable_mosaic.version = 14 : i64} {
  func.func @body(%arg0: i32, %arg1: memref<256x128xf32, #tpu.memory_space<vmem>>, %arg2: memref<1x1x256xi32, #tpu.memory_space<vmem>>, %arg3: memref<1x1x256xi32, #tpu.memory_space<vmem>>, %arg4: memref<256x1xf32, #tpu.memory_space<vmem>>, %arg5: memref<24x128x128xf32, #tpu.memory_space<vmem>>, %arg6: memref<24x128xf32, #tpu.memory_space<vmem>>, %arg7: memref<256x128xf32, #tpu.memory_space<vmem>>, %arg8: memref<2x128xf32, #tpu.memory_space<vmem>>) attributes {dimension_semantics = [#tpu.dimension_semantics<arbitrary>], iteration_bounds = array<i64: 40>, scalar_prefetch = 0 : i64, scratch_operands = 0 : i64, tpu.core_type = #tpu.core_type<tc>, window_params = [{transform_indices = @transform_0, window_bounds = array<i64: 256, 128>}, {transform_indices = @transform_1, window_bounds = array<i64: 1, 1, 256>}, {transform_indices = @transform_2, window_bounds = array<i64: 1, 1, 256>}, {transform_indices = @transform_3, window_bounds = array<i64: 256, 1>}, {pipeline_mode = #tpu.pipeline_mode<synchronous>, transform_indices = @transform_4, window_bounds = array<i64: 24, 128, 128>}, {pipeline_mode = #tpu.pipeline_mode<synchronous>, transform_indices = @transform_5, window_bounds = array<i64: 24, 128>}, {transform_indices = @transform_6, window_bounds = array<i64: 256, 128>}, {pipeline_mode = #tpu.pipeline_mode<synchronous>, transform_indices = @transform_7, window_bounds = array<i64: 2, 128>}]} {
    %get3A = arith.constant 0 : index
    %get3A_0 = arith.constant 0 : index
    %get3A_1 = vector.load %arg1[%get3A, %get3A_0] : memref<256x128xf32, #tpu.memory_space<vmem>>, vector<256x128xf32>
    %get3A_2 = arith.constant 0 : index
    %get3A_3 = arith.constant 0 : index
    %get3A_4 = arith.constant 0 : index
    %get3A_5 = vector.load %arg2[%get3A_2, %get3A_3, %get3A_4] : memref<1x1x256xi32, #tpu.memory_space<vmem>>, vector<1x1x256xi32>
    %get3A_6 = vector.shape_cast %get3A_5 : vector<1x1x256xi32> to vector<256xi32>
    %get3A_7 = arith.constant 0 : index
    %get3A_8 = arith.constant 0 : index
    %get3A_9 = arith.constant 0 : index
    %get3A_10 = vector.load %arg3[%get3A_7, %get3A_8, %get3A_9] : memref<1x1x256xi32, #tpu.memory_space<vmem>>, vector<1x1x256xi32>
    %get3A_11 = vector.shape_cast %get3A_10 : vector<1x1x256xi32> to vector<256xi32>
    %lt3A = arith.constant 6 : i32
    %lt3A_12 = vector.broadcast %lt3A : i32 to vector<256xi32>
    %lt3A_13 = arith.cmpi slt, %get3A_11, %lt3A_12 : vector<256xi32>
    %ge3A = arith.constant 0 : i32
    %ge3A_14 = vector.broadcast %ge3A : i32 to vector<256xi32>
    %ge3A_15 = arith.cmpi sge, %get3A_6, %ge3A_14 : vector<256xi32>
    %and3A = arith.andi %lt3A_13, %ge3A_15 : vector<256xi1>
    %mul3A = arith.constant 6 : i32
    %mul3A_16 = vector.broadcast %mul3A : i32 to vector<256xi32>
    %mul3A_17 = arith.muli %get3A_6, %mul3A_16 : vector<256xi32>
    %add3A = arith.addi %mul3A_17, %get3A_11 : vector<256xi32>
    %jit3A = arith.constant 24 : i32
    %broadcast_in_dim3A = vector.broadcast %jit3A : i32 to vector<256xi32>
    %select_n3A = arith.select %and3A, %add3A, %broadcast_in_dim3A : vector<256xi1>, vector<256xi32>
    %not3A = arith.constant dense<true> : vector<256xi1>
    %not3A_18 = arith.xori %and3A, %not3A : vector<256xi1>
    %convert_element_type3A = arith.extui %not3A_18 : vector<256xi1> to vector<256xi32>
    %convert_element_type3A_19 = arith.sitofp %convert_element_type3A : vector<256xi32> to vector<256xf32>
    %broadcast_in_dim3A_20 = vector.shape_cast %convert_element_type3A_19 : vector<256xf32> to vector<256x1xf32>
    %mul3A_21 = vector.broadcast %broadcast_in_dim3A_20 : vector<256x1xf32> to vector<256x128xf32>
    %mul3A_22 = arith.mulf %get3A_1, %mul3A_21 : vector<256x128xf32>
    %eq3A = arith.constant 0 : i32
    %eq3A_23 = vector.broadcast %eq3A : i32 to vector<256xi32>
    %eq3A_24 = arith.cmpi eq, %select_n3A, %eq3A_23 : vector<256xi32>
    %convert_element_type3A_25 = arith.extui %eq3A_24 : vector<256xi1> to vector<256xi32>
    %convert_element_type3A_26 = arith.sitofp %convert_element_type3A_25 : vector<256xi32> to vector<256xf32>
    %broadcast_in_dim3A_27 = vector.shape_cast %convert_element_type3A_26 : vector<256xf32> to vector<256x1xf32>
    %mul3A_28 = vector.broadcast %broadcast_in_dim3A_27 : vector<256x1xf32> to vector<256x128xf32>
    %mul3A_29 = arith.mulf %get3A_1, %mul3A_28 : vector<256x128xf32>
    %get3A_30 = arith.constant 0 : index
    %get3A_31 = arith.constant 0 : index
    %get3A_32 = arith.constant 0 : index
    %get3A_33 = vector.load %arg5[%get3A_30, %get3A_31, %get3A_32] : memref<24x128x128xf32, #tpu.memory_space<vmem>>, vector<1x128x128xf32>
    %get3A_34 = vector.shape_cast %get3A_33 : vector<1x128x128xf32> to vector<128x128xf32>
    %dot_general3A = arith.constant dense<0.000000e+00> : vector<256x128xf32>
    %dot_general3A_35 = tpu.matmul %mul3A_29, %get3A_34, %dot_general3A {dimension_numbers = #tpu.dot_dimension_numbers<[1], [1], [0], [0], [0, 0, 1, 0], [], []>, transpose_lhs_hint = false} : vector<256x128xf32>, vector<128x128xf32>, vector<256x128xf32> -> vector<256x128xf32>
    %add3A_36 = arith.addf %mul3A_22, %dot_general3A_35 : vector<256x128xf32>
    %get3A_37 = arith.constant 0 : index
    %get3A_38 = arith.constant 0 : index
    %get3A_39 = vector.load %arg6[%get3A_37, %get3A_38] : memref<24x128xf32, #tpu.memory_space<vmem>>, vector<1x128xf32>
    %get3A_40 = vector.shape_cast %get3A_39 : vector<1x128xf32> to vector<128xf32>
    %broadcast_in_dim3A_41 = vector.shape_cast %get3A_40 : vector<128xf32> to vector<1x128xf32>
    %mul3A_42 = vector.broadcast %broadcast_in_dim3A_27 : vector<256x1xf32> to vector<256x128xf32>
    %mul3A_43 = vector.broadcast %broadcast_in_dim3A_41 : vector<1x128xf32> to vector<256x128xf32>
    %mul3A_44 = arith.mulf %mul3A_42, %mul3A_43 : vector<256x128xf32>
    %add3A_45 = arith.addf %add3A_36, %mul3A_44 : vector<256x128xf32>
    %eq3A_46 = arith.constant 1 : i32
    %eq3A_47 = vector.broadcast %eq3A_46 : i32 to vector<256xi32>
    %eq3A_48 = arith.cmpi eq, %select_n3A, %eq3A_47 : vector<256xi32>
    %convert_element_type3A_49 = arith.extui %eq3A_48 : vector<256xi1> to vector<256xi32>
    %convert_element_type3A_50 = arith.sitofp %convert_element_type3A_49 : vector<256xi32> to vector<256xf32>
    %broadcast_in_dim3A_51 = vector.shape_cast %convert_element_type3A_50 : vector<256xf32> to vector<256x1xf32>
    %mul3A_52 = vector.broadcast %broadcast_in_dim3A_51 : vector<256x1xf32> to vector<256x128xf32>
    %mul3A_53 = arith.mulf %get3A_1, %mul3A_52 : vector<256x128xf32>
    %get3A_54 = arith.constant 1 : index
    %get3A_55 = arith.constant 0 : index
    %get3A_56 = arith.constant 0 : index
    %get3A_57 = vector.load %arg5[%get3A_54, %get3A_55, %get3A_56] : memref<24x128x128xf32, #tpu.memory_space<vmem>>, vector<1x128x128xf32>
    %get3A_58 = vector.shape_cast %get3A_57 : vector<1x128x128xf32> to vector<128x128xf32>
    %dot_general3A_59 = arith.constant dense<0.000000e+00> : vector<256x128xf32>
    %dot_general3A_60 = tpu.matmul %mul3A_53, %get3A_58, %dot_general3A_59 {dimension_numbers = #tpu.dot_dimension_numbers<[1], [1], [0], [0], [0, 0, 1, 0], [], []>, transpose_lhs_hint = false} : vector<256x128xf32>, vector<128x128xf32>, vector<256x128xf32> -> vector<256x128xf32>
    %add3A_61 = arith.addf %add3A_45, %dot_general3A_60 : vector<256x128xf32>
    %get3A_62 = arith.constant 1 : index
    %get3A_63 = arith.constant 0 : index
    %get3A_64 = vector.load %arg6[%get3A_62, %get3A_63] : memref<24x128xf32, #tpu.memory_space<vmem>>, vector<1x128xf32>
    %get3A_65 = vector.shape_cast %get3A_64 : vector<1x128xf32> to vector<128xf32>
    %broadcast_in_dim3A_66 = vector.shape_cast %get3A_65 : vector<128xf32> to vector<1x128xf32>
    %mul3A_67 = vector.broadcast %broadcast_in_dim3A_51 : vector<256x1xf32> to vector<256x128xf32>
    %mul3A_68 = vector.broadcast %broadcast_in_dim3A_66 : vector<1x128xf32> to vector<256x128xf32>
    %mul3A_69 = arith.mulf %mul3A_67, %mul3A_68 : vector<256x128xf32>
    %add3A_70 = arith.addf %add3A_61, %mul3A_69 : vector<256x128xf32>
    %eq3A_71 = arith.constant 2 : i32
    %eq3A_72 = vector.broadcast %eq3A_71 : i32 to vector<256xi32>
    %eq3A_73 = arith.cmpi eq, %select_n3A, %eq3A_72 : vector<256xi32>
    %convert_element_type3A_74 = arith.extui %eq3A_73 : vector<256xi1> to vector<256xi32>
    %convert_element_type3A_75 = arith.sitofp %convert_element_type3A_74 : vector<256xi32> to vector<256xf32>
    %broadcast_in_dim3A_76 = vector.shape_cast %convert_element_type3A_75 : vector<256xf32> to vector<256x1xf32>
    %mul3A_77 = vector.broadcast %broadcast_in_dim3A_76 : vector<256x1xf32> to vector<256x128xf32>
    %mul3A_78 = arith.mulf %get3A_1, %mul3A_77 : vector<256x128xf32>
    %get3A_79 = arith.constant 2 : index
    %get3A_80 = arith.constant 0 : index
    %get3A_81 = arith.constant 0 : index
    %get3A_82 = vector.load %arg5[%get3A_79, %get3A_80, %get3A_81] : memref<24x128x128xf32, #tpu.memory_space<vmem>>, vector<1x128x128xf32>
    %get3A_83 = vector.shape_cast %get3A_82 : vector<1x128x128xf32> to vector<128x128xf32>
    %dot_general3A_84 = arith.constant dense<0.000000e+00> : vector<256x128xf32>
    %dot_general3A_85 = tpu.matmul %mul3A_78, %get3A_83, %dot_general3A_84 {dimension_numbers = #tpu.dot_dimension_numbers<[1], [1], [0], [0], [0, 0, 1, 0], [], []>, transpose_lhs_hint = false} : vector<256x128xf32>, vector<128x128xf32>, vector<256x128xf32> -> vector<256x128xf32>
    %add3A_86 = arith.addf %add3A_70, %dot_general3A_85 : vector<256x128xf32>
    %get3A_87 = arith.constant 2 : index
    %get3A_88 = arith.constant 0 : index
    %get3A_89 = vector.load %arg6[%get3A_87, %get3A_88] : memref<24x128xf32, #tpu.memory_space<vmem>>, vector<1x128xf32>
    %get3A_90 = vector.shape_cast %get3A_89 : vector<1x128xf32> to vector<128xf32>
    %broadcast_in_dim3A_91 = vector.shape_cast %get3A_90 : vector<128xf32> to vector<1x128xf32>
    %mul3A_92 = vector.broadcast %broadcast_in_dim3A_76 : vector<256x1xf32> to vector<256x128xf32>
    %mul3A_93 = vector.broadcast %broadcast_in_dim3A_91 : vector<1x128xf32> to vector<256x128xf32>
    %mul3A_94 = arith.mulf %mul3A_92, %mul3A_93 : vector<256x128xf32>
    %add3A_95 = arith.addf %add3A_86, %mul3A_94 : vector<256x128xf32>
    %eq3A_96 = arith.constant 3 : i32
    %eq3A_97 = vector.broadcast %eq3A_96 : i32 to vector<256xi32>
    %eq3A_98 = arith.cmpi eq, %select_n3A, %eq3A_97 : vector<256xi32>
    %convert_element_type3A_99 = arith.extui %eq3A_98 : vector<256xi1> to vector<256xi32>
    %convert_element_type3A_100 = arith.sitofp %convert_element_type3A_99 : vector<256xi32> to vector<256xf32>
    %broadcast_in_dim3A_101 = vector.shape_cast %convert_element_type3A_100 : vector<256xf32> to vector<256x1xf32>
    %mul3A_102 = vector.broadcast %broadcast_in_dim3A_101 : vector<256x1xf32> to vector<256x128xf32>
    %mul3A_103 = arith.mulf %get3A_1, %mul3A_102 : vector<256x128xf32>
    %get3A_104 = arith.constant 3 : index
    %get3A_105 = arith.constant 0 : index
    %get3A_106 = arith.constant 0 : index
    %get3A_107 = vector.load %arg5[%get3A_104, %get3A_105, %get3A_106] : memref<24x128x128xf32, #tpu.memory_space<vmem>>, vector<1x128x128xf32>
    %get3A_108 = vector.shape_cast %get3A_107 : vector<1x128x128xf32> to vector<128x128xf32>
    %dot_general3A_109 = arith.constant dense<0.000000e+00> : vector<256x128xf32>
    %dot_general3A_110 = tpu.matmul %mul3A_103, %get3A_108, %dot_general3A_109 {dimension_numbers = #tpu.dot_dimension_numbers<[1], [1], [0], [0], [0, 0, 1, 0], [], []>, transpose_lhs_hint = false} : vector<256x128xf32>, vector<128x128xf32>, vector<256x128xf32> -> vector<256x128xf32>
    %add3A_111 = arith.addf %add3A_95, %dot_general3A_110 : vector<256x128xf32>
    %get3A_112 = arith.constant 3 : index
    %get3A_113 = arith.constant 0 : index
    %get3A_114 = vector.load %arg6[%get3A_112, %get3A_113] : memref<24x128xf32, #tpu.memory_space<vmem>>, vector<1x128xf32>
    %get3A_115 = vector.shape_cast %get3A_114 : vector<1x128xf32> to vector<128xf32>
    %broadcast_in_dim3A_116 = vector.shape_cast %get3A_115 : vector<128xf32> to vector<1x128xf32>
    %mul3A_117 = vector.broadcast %broadcast_in_dim3A_101 : vector<256x1xf32> to vector<256x128xf32>
    %mul3A_118 = vector.broadcast %broadcast_in_dim3A_116 : vector<1x128xf32> to vector<256x128xf32>
    %mul3A_119 = arith.mulf %mul3A_117, %mul3A_118 : vector<256x128xf32>
    %add3A_120 = arith.addf %add3A_111, %mul3A_119 : vector<256x128xf32>
    %eq3A_121 = arith.constant 4 : i32
    %eq3A_122 = vector.broadcast %eq3A_121 : i32 to vector<256xi32>
    %eq3A_123 = arith.cmpi eq, %select_n3A, %eq3A_122 : vector<256xi32>
    %convert_element_type3A_124 = arith.extui %eq3A_123 : vector<256xi1> to vector<256xi32>
    %convert_element_type3A_125 = arith.sitofp %convert_element_type3A_124 : vector<256xi32> to vector<256xf32>
    %broadcast_in_dim3A_126 = vector.shape_cast %convert_element_type3A_125 : vector<256xf32> to vector<256x1xf32>
    %mul3A_127 = vector.broadcast %broadcast_in_dim3A_126 : vector<256x1xf32> to vector<256x128xf32>
    %mul3A_128 = arith.mulf %get3A_1, %mul3A_127 : vector<256x128xf32>
    %get3A_129 = arith.constant 4 : index
    %get3A_130 = arith.constant 0 : index
    %get3A_131 = arith.constant 0 : index
    %get3A_132 = vector.load %arg5[%get3A_129, %get3A_130, %get3A_131] : memref<24x128x128xf32, #tpu.memory_space<vmem>>, vector<1x128x128xf32>
    %get3A_133 = vector.shape_cast %get3A_132 : vector<1x128x128xf32> to vector<128x128xf32>
    %dot_general3A_134 = arith.constant dense<0.000000e+00> : vector<256x128xf32>
    %dot_general3A_135 = tpu.matmul %mul3A_128, %get3A_133, %dot_general3A_134 {dimension_numbers = #tpu.dot_dimension_numbers<[1], [1], [0], [0], [0, 0, 1, 0], [], []>, transpose_lhs_hint = false} : vector<256x128xf32>, vector<128x128xf32>, vector<256x128xf32> -> vector<256x128xf32>
    %add3A_136 = arith.addf %add3A_120, %dot_general3A_135 : vector<256x128xf32>
    %get3A_137 = arith.constant 4 : index
    %get3A_138 = arith.constant 0 : index
    %get3A_139 = vector.load %arg6[%get3A_137, %get3A_138] : memref<24x128xf32, #tpu.memory_space<vmem>>, vector<1x128xf32>
    %get3A_140 = vector.shape_cast %get3A_139 : vector<1x128xf32> to vector<128xf32>
    %broadcast_in_dim3A_141 = vector.shape_cast %get3A_140 : vector<128xf32> to vector<1x128xf32>
    %mul3A_142 = vector.broadcast %broadcast_in_dim3A_126 : vector<256x1xf32> to vector<256x128xf32>
    %mul3A_143 = vector.broadcast %broadcast_in_dim3A_141 : vector<1x128xf32> to vector<256x128xf32>
    %mul3A_144 = arith.mulf %mul3A_142, %mul3A_143 : vector<256x128xf32>
    %add3A_145 = arith.addf %add3A_136, %mul3A_144 : vector<256x128xf32>
    %eq3A_146 = arith.constant 5 : i32
    %eq3A_147 = vector.broadcast %eq3A_146 : i32 to vector<256xi32>
    %eq3A_148 = arith.cmpi eq, %select_n3A, %eq3A_147 : vector<256xi32>
    %convert_element_type3A_149 = arith.extui %eq3A_148 : vector<256xi1> to vector<256xi32>
    %convert_element_type3A_150 = arith.sitofp %convert_element_type3A_149 : vector<256xi32> to vector<256xf32>
    %broadcast_in_dim3A_151 = vector.shape_cast %convert_element_type3A_150 : vector<256xf32> to vector<256x1xf32>
    %mul3A_152 = vector.broadcast %broadcast_in_dim3A_151 : vector<256x1xf32> to vector<256x128xf32>
    %mul3A_153 = arith.mulf %get3A_1, %mul3A_152 : vector<256x128xf32>
    %get3A_154 = arith.constant 5 : index
    %get3A_155 = arith.constant 0 : index
    %get3A_156 = arith.constant 0 : index
    %get3A_157 = vector.load %arg5[%get3A_154, %get3A_155, %get3A_156] : memref<24x128x128xf32, #tpu.memory_space<vmem>>, vector<1x128x128xf32>
    %get3A_158 = vector.shape_cast %get3A_157 : vector<1x128x128xf32> to vector<128x128xf32>
    %dot_general3A_159 = arith.constant dense<0.000000e+00> : vector<256x128xf32>
    %dot_general3A_160 = tpu.matmul %mul3A_153, %get3A_158, %dot_general3A_159 {dimension_numbers = #tpu.dot_dimension_numbers<[1], [1], [0], [0], [0, 0, 1, 0], [], []>, transpose_lhs_hint = false} : vector<256x128xf32>, vector<128x128xf32>, vector<256x128xf32> -> vector<256x128xf32>
    %add3A_161 = arith.addf %add3A_145, %dot_general3A_160 : vector<256x128xf32>
    %get3A_162 = arith.constant 5 : index
    %get3A_163 = arith.constant 0 : index
    %get3A_164 = vector.load %arg6[%get3A_162, %get3A_163] : memref<24x128xf32, #tpu.memory_space<vmem>>, vector<1x128xf32>
    %get3A_165 = vector.shape_cast %get3A_164 : vector<1x128xf32> to vector<128xf32>
    %broadcast_in_dim3A_166 = vector.shape_cast %get3A_165 : vector<128xf32> to vector<1x128xf32>
    %mul3A_167 = vector.broadcast %broadcast_in_dim3A_151 : vector<256x1xf32> to vector<256x128xf32>
    %mul3A_168 = vector.broadcast %broadcast_in_dim3A_166 : vector<1x128xf32> to vector<256x128xf32>
    %mul3A_169 = arith.mulf %mul3A_167, %mul3A_168 : vector<256x128xf32>
    %add3A_170 = arith.addf %add3A_161, %mul3A_169 : vector<256x128xf32>
    %eq3A_171 = arith.constant 6 : i32
    %eq3A_172 = vector.broadcast %eq3A_171 : i32 to vector<256xi32>
    %eq3A_173 = arith.cmpi eq, %select_n3A, %eq3A_172 : vector<256xi32>
    %convert_element_type3A_174 = arith.extui %eq3A_173 : vector<256xi1> to vector<256xi32>
    %convert_element_type3A_175 = arith.sitofp %convert_element_type3A_174 : vector<256xi32> to vector<256xf32>
    %broadcast_in_dim3A_176 = vector.shape_cast %convert_element_type3A_175 : vector<256xf32> to vector<256x1xf32>
    %mul3A_177 = vector.broadcast %broadcast_in_dim3A_176 : vector<256x1xf32> to vector<256x128xf32>
    %mul3A_178 = arith.mulf %get3A_1, %mul3A_177 : vector<256x128xf32>
    %get3A_179 = arith.constant 6 : index
    %get3A_180 = arith.constant 0 : index
    %get3A_181 = arith.constant 0 : index
    %get3A_182 = vector.load %arg5[%get3A_179, %get3A_180, %get3A_181] : memref<24x128x128xf32, #tpu.memory_space<vmem>>, vector<1x128x128xf32>
    %get3A_183 = vector.shape_cast %get3A_182 : vector<1x128x128xf32> to vector<128x128xf32>
    %dot_general3A_184 = arith.constant dense<0.000000e+00> : vector<256x128xf32>
    %dot_general3A_185 = tpu.matmul %mul3A_178, %get3A_183, %dot_general3A_184 {dimension_numbers = #tpu.dot_dimension_numbers<[1], [1], [0], [0], [0, 0, 1, 0], [], []>, transpose_lhs_hint = false} : vector<256x128xf32>, vector<128x128xf32>, vector<256x128xf32> -> vector<256x128xf32>
    %add3A_186 = arith.addf %add3A_170, %dot_general3A_185 : vector<256x128xf32>
    %get3A_187 = arith.constant 6 : index
    %get3A_188 = arith.constant 0 : index
    %get3A_189 = vector.load %arg6[%get3A_187, %get3A_188] : memref<24x128xf32, #tpu.memory_space<vmem>>, vector<1x128xf32>
    %get3A_190 = vector.shape_cast %get3A_189 : vector<1x128xf32> to vector<128xf32>
    %broadcast_in_dim3A_191 = vector.shape_cast %get3A_190 : vector<128xf32> to vector<1x128xf32>
    %mul3A_192 = vector.broadcast %broadcast_in_dim3A_176 : vector<256x1xf32> to vector<256x128xf32>
    %mul3A_193 = vector.broadcast %broadcast_in_dim3A_191 : vector<1x128xf32> to vector<256x128xf32>
    %mul3A_194 = arith.mulf %mul3A_192, %mul3A_193 : vector<256x128xf32>
    %add3A_195 = arith.addf %add3A_186, %mul3A_194 : vector<256x128xf32>
    %eq3A_196 = arith.constant 7 : i32
    %eq3A_197 = vector.broadcast %eq3A_196 : i32 to vector<256xi32>
    %eq3A_198 = arith.cmpi eq, %select_n3A, %eq3A_197 : vector<256xi32>
    %convert_element_type3A_199 = arith.extui %eq3A_198 : vector<256xi1> to vector<256xi32>
    %convert_element_type3A_200 = arith.sitofp %convert_element_type3A_199 : vector<256xi32> to vector<256xf32>
    %broadcast_in_dim3A_201 = vector.shape_cast %convert_element_type3A_200 : vector<256xf32> to vector<256x1xf32>
    %mul3A_202 = vector.broadcast %broadcast_in_dim3A_201 : vector<256x1xf32> to vector<256x128xf32>
    %mul3A_203 = arith.mulf %get3A_1, %mul3A_202 : vector<256x128xf32>
    %get3A_204 = arith.constant 7 : index
    %get3A_205 = arith.constant 0 : index
    %get3A_206 = arith.constant 0 : index
    %get3A_207 = vector.load %arg5[%get3A_204, %get3A_205, %get3A_206] : memref<24x128x128xf32, #tpu.memory_space<vmem>>, vector<1x128x128xf32>
    %get3A_208 = vector.shape_cast %get3A_207 : vector<1x128x128xf32> to vector<128x128xf32>
    %dot_general3A_209 = arith.constant dense<0.000000e+00> : vector<256x128xf32>
    %dot_general3A_210 = tpu.matmul %mul3A_203, %get3A_208, %dot_general3A_209 {dimension_numbers = #tpu.dot_dimension_numbers<[1], [1], [0], [0], [0, 0, 1, 0], [], []>, transpose_lhs_hint = false} : vector<256x128xf32>, vector<128x128xf32>, vector<256x128xf32> -> vector<256x128xf32>
    %add3A_211 = arith.addf %add3A_195, %dot_general3A_210 : vector<256x128xf32>
    %get3A_212 = arith.constant 7 : index
    %get3A_213 = arith.constant 0 : index
    %get3A_214 = vector.load %arg6[%get3A_212, %get3A_213] : memref<24x128xf32, #tpu.memory_space<vmem>>, vector<1x128xf32>
    %get3A_215 = vector.shape_cast %get3A_214 : vector<1x128xf32> to vector<128xf32>
    %broadcast_in_dim3A_216 = vector.shape_cast %get3A_215 : vector<128xf32> to vector<1x128xf32>
    %mul3A_217 = vector.broadcast %broadcast_in_dim3A_201 : vector<256x1xf32> to vector<256x128xf32>
    %mul3A_218 = vector.broadcast %broadcast_in_dim3A_216 : vector<1x128xf32> to vector<256x128xf32>
    %mul3A_219 = arith.mulf %mul3A_217, %mul3A_218 : vector<256x128xf32>
    %add3A_220 = arith.addf %add3A_211, %mul3A_219 : vector<256x128xf32>
    %eq3A_221 = arith.constant 8 : i32
    %eq3A_222 = vector.broadcast %eq3A_221 : i32 to vector<256xi32>
    %eq3A_223 = arith.cmpi eq, %select_n3A, %eq3A_222 : vector<256xi32>
    %convert_element_type3A_224 = arith.extui %eq3A_223 : vector<256xi1> to vector<256xi32>
    %convert_element_type3A_225 = arith.sitofp %convert_element_type3A_224 : vector<256xi32> to vector<256xf32>
    %broadcast_in_dim3A_226 = vector.shape_cast %convert_element_type3A_225 : vector<256xf32> to vector<256x1xf32>
    %mul3A_227 = vector.broadcast %broadcast_in_dim3A_226 : vector<256x1xf32> to vector<256x128xf32>
    %mul3A_228 = arith.mulf %get3A_1, %mul3A_227 : vector<256x128xf32>
    %get3A_229 = arith.constant 8 : index
    %get3A_230 = arith.constant 0 : index
    %get3A_231 = arith.constant 0 : index
    %get3A_232 = vector.load %arg5[%get3A_229, %get3A_230, %get3A_231] : memref<24x128x128xf32, #tpu.memory_space<vmem>>, vector<1x128x128xf32>
    %get3A_233 = vector.shape_cast %get3A_232 : vector<1x128x128xf32> to vector<128x128xf32>
    %dot_general3A_234 = arith.constant dense<0.000000e+00> : vector<256x128xf32>
    %dot_general3A_235 = tpu.matmul %mul3A_228, %get3A_233, %dot_general3A_234 {dimension_numbers = #tpu.dot_dimension_numbers<[1], [1], [0], [0], [0, 0, 1, 0], [], []>, transpose_lhs_hint = false} : vector<256x128xf32>, vector<128x128xf32>, vector<256x128xf32> -> vector<256x128xf32>
    %add3A_236 = arith.addf %add3A_220, %dot_general3A_235 : vector<256x128xf32>
    %get3A_237 = arith.constant 8 : index
    %get3A_238 = arith.constant 0 : index
    %get3A_239 = vector.load %arg6[%get3A_237, %get3A_238] : memref<24x128xf32, #tpu.memory_space<vmem>>, vector<1x128xf32>
    %get3A_240 = vector.shape_cast %get3A_239 : vector<1x128xf32> to vector<128xf32>
    %broadcast_in_dim3A_241 = vector.shape_cast %get3A_240 : vector<128xf32> to vector<1x128xf32>
    %mul3A_242 = vector.broadcast %broadcast_in_dim3A_226 : vector<256x1xf32> to vector<256x128xf32>
    %mul3A_243 = vector.broadcast %broadcast_in_dim3A_241 : vector<1x128xf32> to vector<256x128xf32>
    %mul3A_244 = arith.mulf %mul3A_242, %mul3A_243 : vector<256x128xf32>
    %add3A_245 = arith.addf %add3A_236, %mul3A_244 : vector<256x128xf32>
    %eq3A_246 = arith.constant 9 : i32
    %eq3A_247 = vector.broadcast %eq3A_246 : i32 to vector<256xi32>
    %eq3A_248 = arith.cmpi eq, %select_n3A, %eq3A_247 : vector<256xi32>
    %convert_element_type3A_249 = arith.extui %eq3A_248 : vector<256xi1> to vector<256xi32>
    %convert_element_type3A_250 = arith.sitofp %convert_element_type3A_249 : vector<256xi32> to vector<256xf32>
    %broadcast_in_dim3A_251 = vector.shape_cast %convert_element_type3A_250 : vector<256xf32> to vector<256x1xf32>
    %mul3A_252 = vector.broadcast %broadcast_in_dim3A_251 : vector<256x1xf32> to vector<256x128xf32>
    %mul3A_253 = arith.mulf %get3A_1, %mul3A_252 : vector<256x128xf32>
    %get3A_254 = arith.constant 9 : index
    %get3A_255 = arith.constant 0 : index
    %get3A_256 = arith.constant 0 : index
    %get3A_257 = vector.load %arg5[%get3A_254, %get3A_255, %get3A_256] : memref<24x128x128xf32, #tpu.memory_space<vmem>>, vector<1x128x128xf32>
    %get3A_258 = vector.shape_cast %get3A_257 : vector<1x128x128xf32> to vector<128x128xf32>
    %dot_general3A_259 = arith.constant dense<0.000000e+00> : vector<256x128xf32>
    %dot_general3A_260 = tpu.matmul %mul3A_253, %get3A_258, %dot_general3A_259 {dimension_numbers = #tpu.dot_dimension_numbers<[1], [1], [0], [0], [0, 0, 1, 0], [], []>, transpose_lhs_hint = false} : vector<256x128xf32>, vector<128x128xf32>, vector<256x128xf32> -> vector<256x128xf32>
    %add3A_261 = arith.addf %add3A_245, %dot_general3A_260 : vector<256x128xf32>
    %get3A_262 = arith.constant 9 : index
    %get3A_263 = arith.constant 0 : index
    %get3A_264 = vector.load %arg6[%get3A_262, %get3A_263] : memref<24x128xf32, #tpu.memory_space<vmem>>, vector<1x128xf32>
    %get3A_265 = vector.shape_cast %get3A_264 : vector<1x128xf32> to vector<128xf32>
    %broadcast_in_dim3A_266 = vector.shape_cast %get3A_265 : vector<128xf32> to vector<1x128xf32>
    %mul3A_267 = vector.broadcast %broadcast_in_dim3A_251 : vector<256x1xf32> to vector<256x128xf32>
    %mul3A_268 = vector.broadcast %broadcast_in_dim3A_266 : vector<1x128xf32> to vector<256x128xf32>
    %mul3A_269 = arith.mulf %mul3A_267, %mul3A_268 : vector<256x128xf32>
    %add3A_270 = arith.addf %add3A_261, %mul3A_269 : vector<256x128xf32>
    %eq3A_271 = arith.constant 10 : i32
    %eq3A_272 = vector.broadcast %eq3A_271 : i32 to vector<256xi32>
    %eq3A_273 = arith.cmpi eq, %select_n3A, %eq3A_272 : vector<256xi32>
    %convert_element_type3A_274 = arith.extui %eq3A_273 : vector<256xi1> to vector<256xi32>
    %convert_element_type3A_275 = arith.sitofp %convert_element_type3A_274 : vector<256xi32> to vector<256xf32>
    %broadcast_in_dim3A_276 = vector.shape_cast %convert_element_type3A_275 : vector<256xf32> to vector<256x1xf32>
    %mul3A_277 = vector.broadcast %broadcast_in_dim3A_276 : vector<256x1xf32> to vector<256x128xf32>
    %mul3A_278 = arith.mulf %get3A_1, %mul3A_277 : vector<256x128xf32>
    %get3A_279 = arith.constant 10 : index
    %get3A_280 = arith.constant 0 : index
    %get3A_281 = arith.constant 0 : index
    %get3A_282 = vector.load %arg5[%get3A_279, %get3A_280, %get3A_281] : memref<24x128x128xf32, #tpu.memory_space<vmem>>, vector<1x128x128xf32>
    %get3A_283 = vector.shape_cast %get3A_282 : vector<1x128x128xf32> to vector<128x128xf32>
    %dot_general3A_284 = arith.constant dense<0.000000e+00> : vector<256x128xf32>
    %dot_general3A_285 = tpu.matmul %mul3A_278, %get3A_283, %dot_general3A_284 {dimension_numbers = #tpu.dot_dimension_numbers<[1], [1], [0], [0], [0, 0, 1, 0], [], []>, transpose_lhs_hint = false} : vector<256x128xf32>, vector<128x128xf32>, vector<256x128xf32> -> vector<256x128xf32>
    %add3A_286 = arith.addf %add3A_270, %dot_general3A_285 : vector<256x128xf32>
    %get3A_287 = arith.constant 10 : index
    %get3A_288 = arith.constant 0 : index
    %get3A_289 = vector.load %arg6[%get3A_287, %get3A_288] : memref<24x128xf32, #tpu.memory_space<vmem>>, vector<1x128xf32>
    %get3A_290 = vector.shape_cast %get3A_289 : vector<1x128xf32> to vector<128xf32>
    %broadcast_in_dim3A_291 = vector.shape_cast %get3A_290 : vector<128xf32> to vector<1x128xf32>
    %mul3A_292 = vector.broadcast %broadcast_in_dim3A_276 : vector<256x1xf32> to vector<256x128xf32>
    %mul3A_293 = vector.broadcast %broadcast_in_dim3A_291 : vector<1x128xf32> to vector<256x128xf32>
    %mul3A_294 = arith.mulf %mul3A_292, %mul3A_293 : vector<256x128xf32>
    %add3A_295 = arith.addf %add3A_286, %mul3A_294 : vector<256x128xf32>
    %eq3A_296 = arith.constant 11 : i32
    %eq3A_297 = vector.broadcast %eq3A_296 : i32 to vector<256xi32>
    %eq3A_298 = arith.cmpi eq, %select_n3A, %eq3A_297 : vector<256xi32>
    %convert_element_type3A_299 = arith.extui %eq3A_298 : vector<256xi1> to vector<256xi32>
    %convert_element_type3A_300 = arith.sitofp %convert_element_type3A_299 : vector<256xi32> to vector<256xf32>
    %broadcast_in_dim3A_301 = vector.shape_cast %convert_element_type3A_300 : vector<256xf32> to vector<256x1xf32>
    %mul3A_302 = vector.broadcast %broadcast_in_dim3A_301 : vector<256x1xf32> to vector<256x128xf32>
    %mul3A_303 = arith.mulf %get3A_1, %mul3A_302 : vector<256x128xf32>
    %get3A_304 = arith.constant 11 : index
    %get3A_305 = arith.constant 0 : index
    %get3A_306 = arith.constant 0 : index
    %get3A_307 = vector.load %arg5[%get3A_304, %get3A_305, %get3A_306] : memref<24x128x128xf32, #tpu.memory_space<vmem>>, vector<1x128x128xf32>
    %get3A_308 = vector.shape_cast %get3A_307 : vector<1x128x128xf32> to vector<128x128xf32>
    %dot_general3A_309 = arith.constant dense<0.000000e+00> : vector<256x128xf32>
    %dot_general3A_310 = tpu.matmul %mul3A_303, %get3A_308, %dot_general3A_309 {dimension_numbers = #tpu.dot_dimension_numbers<[1], [1], [0], [0], [0, 0, 1, 0], [], []>, transpose_lhs_hint = false} : vector<256x128xf32>, vector<128x128xf32>, vector<256x128xf32> -> vector<256x128xf32>
    %add3A_311 = arith.addf %add3A_295, %dot_general3A_310 : vector<256x128xf32>
    %get3A_312 = arith.constant 11 : index
    %get3A_313 = arith.constant 0 : index
    %get3A_314 = vector.load %arg6[%get3A_312, %get3A_313] : memref<24x128xf32, #tpu.memory_space<vmem>>, vector<1x128xf32>
    %get3A_315 = vector.shape_cast %get3A_314 : vector<1x128xf32> to vector<128xf32>
    %broadcast_in_dim3A_316 = vector.shape_cast %get3A_315 : vector<128xf32> to vector<1x128xf32>
    %mul3A_317 = vector.broadcast %broadcast_in_dim3A_301 : vector<256x1xf32> to vector<256x128xf32>
    %mul3A_318 = vector.broadcast %broadcast_in_dim3A_316 : vector<1x128xf32> to vector<256x128xf32>
    %mul3A_319 = arith.mulf %mul3A_317, %mul3A_318 : vector<256x128xf32>
    %add3A_320 = arith.addf %add3A_311, %mul3A_319 : vector<256x128xf32>
    %eq3A_321 = arith.constant 12 : i32
    %eq3A_322 = vector.broadcast %eq3A_321 : i32 to vector<256xi32>
    %eq3A_323 = arith.cmpi eq, %select_n3A, %eq3A_322 : vector<256xi32>
    %convert_element_type3A_324 = arith.extui %eq3A_323 : vector<256xi1> to vector<256xi32>
    %convert_element_type3A_325 = arith.sitofp %convert_element_type3A_324 : vector<256xi32> to vector<256xf32>
    %broadcast_in_dim3A_326 = vector.shape_cast %convert_element_type3A_325 : vector<256xf32> to vector<256x1xf32>
    %mul3A_327 = vector.broadcast %broadcast_in_dim3A_326 : vector<256x1xf32> to vector<256x128xf32>
    %mul3A_328 = arith.mulf %get3A_1, %mul3A_327 : vector<256x128xf32>
    %get3A_329 = arith.constant 12 : index
    %get3A_330 = arith.constant 0 : index
    %get3A_331 = arith.constant 0 : index
    %get3A_332 = vector.load %arg5[%get3A_329, %get3A_330, %get3A_331] : memref<24x128x128xf32, #tpu.memory_space<vmem>>, vector<1x128x128xf32>
    %get3A_333 = vector.shape_cast %get3A_332 : vector<1x128x128xf32> to vector<128x128xf32>
    %dot_general3A_334 = arith.constant dense<0.000000e+00> : vector<256x128xf32>
    %dot_general3A_335 = tpu.matmul %mul3A_328, %get3A_333, %dot_general3A_334 {dimension_numbers = #tpu.dot_dimension_numbers<[1], [1], [0], [0], [0, 0, 1, 0], [], []>, transpose_lhs_hint = false} : vector<256x128xf32>, vector<128x128xf32>, vector<256x128xf32> -> vector<256x128xf32>
    %add3A_336 = arith.addf %add3A_320, %dot_general3A_335 : vector<256x128xf32>
    %get3A_337 = arith.constant 12 : index
    %get3A_338 = arith.constant 0 : index
    %get3A_339 = vector.load %arg6[%get3A_337, %get3A_338] : memref<24x128xf32, #tpu.memory_space<vmem>>, vector<1x128xf32>
    %get3A_340 = vector.shape_cast %get3A_339 : vector<1x128xf32> to vector<128xf32>
    %broadcast_in_dim3A_341 = vector.shape_cast %get3A_340 : vector<128xf32> to vector<1x128xf32>
    %mul3A_342 = vector.broadcast %broadcast_in_dim3A_326 : vector<256x1xf32> to vector<256x128xf32>
    %mul3A_343 = vector.broadcast %broadcast_in_dim3A_341 : vector<1x128xf32> to vector<256x128xf32>
    %mul3A_344 = arith.mulf %mul3A_342, %mul3A_343 : vector<256x128xf32>
    %add3A_345 = arith.addf %add3A_336, %mul3A_344 : vector<256x128xf32>
    %eq3A_346 = arith.constant 13 : i32
    %eq3A_347 = vector.broadcast %eq3A_346 : i32 to vector<256xi32>
    %eq3A_348 = arith.cmpi eq, %select_n3A, %eq3A_347 : vector<256xi32>
    %convert_element_type3A_349 = arith.extui %eq3A_348 : vector<256xi1> to vector<256xi32>
    %convert_element_type3A_350 = arith.sitofp %convert_element_type3A_349 : vector<256xi32> to vector<256xf32>
    %broadcast_in_dim3A_351 = vector.shape_cast %convert_element_type3A_350 : vector<256xf32> to vector<256x1xf32>
    %mul3A_352 = vector.broadcast %broadcast_in_dim3A_351 : vector<256x1xf32> to vector<256x128xf32>
    %mul3A_353 = arith.mulf %get3A_1, %mul3A_352 : vector<256x128xf32>
    %get3A_354 = arith.constant 13 : index
    %get3A_355 = arith.constant 0 : index
    %get3A_356 = arith.constant 0 : index
    %get3A_357 = vector.load %arg5[%get3A_354, %get3A_355, %get3A_356] : memref<24x128x128xf32, #tpu.memory_space<vmem>>, vector<1x128x128xf32>
    %get3A_358 = vector.shape_cast %get3A_357 : vector<1x128x128xf32> to vector<128x128xf32>
    %dot_general3A_359 = arith.constant dense<0.000000e+00> : vector<256x128xf32>
    %dot_general3A_360 = tpu.matmul %mul3A_353, %get3A_358, %dot_general3A_359 {dimension_numbers = #tpu.dot_dimension_numbers<[1], [1], [0], [0], [0, 0, 1, 0], [], []>, transpose_lhs_hint = false} : vector<256x128xf32>, vector<128x128xf32>, vector<256x128xf32> -> vector<256x128xf32>
    %add3A_361 = arith.addf %add3A_345, %dot_general3A_360 : vector<256x128xf32>
    %get3A_362 = arith.constant 13 : index
    %get3A_363 = arith.constant 0 : index
    %get3A_364 = vector.load %arg6[%get3A_362, %get3A_363] : memref<24x128xf32, #tpu.memory_space<vmem>>, vector<1x128xf32>
    %get3A_365 = vector.shape_cast %get3A_364 : vector<1x128xf32> to vector<128xf32>
    %broadcast_in_dim3A_366 = vector.shape_cast %get3A_365 : vector<128xf32> to vector<1x128xf32>
    %mul3A_367 = vector.broadcast %broadcast_in_dim3A_351 : vector<256x1xf32> to vector<256x128xf32>
    %mul3A_368 = vector.broadcast %broadcast_in_dim3A_366 : vector<1x128xf32> to vector<256x128xf32>
    %mul3A_369 = arith.mulf %mul3A_367, %mul3A_368 : vector<256x128xf32>
    %add3A_370 = arith.addf %add3A_361, %mul3A_369 : vector<256x128xf32>
    %eq3A_371 = arith.constant 14 : i32
    %eq3A_372 = vector.broadcast %eq3A_371 : i32 to vector<256xi32>
    %eq3A_373 = arith.cmpi eq, %select_n3A, %eq3A_372 : vector<256xi32>
    %convert_element_type3A_374 = arith.extui %eq3A_373 : vector<256xi1> to vector<256xi32>
    %convert_element_type3A_375 = arith.sitofp %convert_element_type3A_374 : vector<256xi32> to vector<256xf32>
    %broadcast_in_dim3A_376 = vector.shape_cast %convert_element_type3A_375 : vector<256xf32> to vector<256x1xf32>
    %mul3A_377 = vector.broadcast %broadcast_in_dim3A_376 : vector<256x1xf32> to vector<256x128xf32>
    %mul3A_378 = arith.mulf %get3A_1, %mul3A_377 : vector<256x128xf32>
    %get3A_379 = arith.constant 14 : index
    %get3A_380 = arith.constant 0 : index
    %get3A_381 = arith.constant 0 : index
    %get3A_382 = vector.load %arg5[%get3A_379, %get3A_380, %get3A_381] : memref<24x128x128xf32, #tpu.memory_space<vmem>>, vector<1x128x128xf32>
    %get3A_383 = vector.shape_cast %get3A_382 : vector<1x128x128xf32> to vector<128x128xf32>
    %dot_general3A_384 = arith.constant dense<0.000000e+00> : vector<256x128xf32>
    %dot_general3A_385 = tpu.matmul %mul3A_378, %get3A_383, %dot_general3A_384 {dimension_numbers = #tpu.dot_dimension_numbers<[1], [1], [0], [0], [0, 0, 1, 0], [], []>, transpose_lhs_hint = false} : vector<256x128xf32>, vector<128x128xf32>, vector<256x128xf32> -> vector<256x128xf32>
    %add3A_386 = arith.addf %add3A_370, %dot_general3A_385 : vector<256x128xf32>
    %get3A_387 = arith.constant 14 : index
    %get3A_388 = arith.constant 0 : index
    %get3A_389 = vector.load %arg6[%get3A_387, %get3A_388] : memref<24x128xf32, #tpu.memory_space<vmem>>, vector<1x128xf32>
    %get3A_390 = vector.shape_cast %get3A_389 : vector<1x128xf32> to vector<128xf32>
    %broadcast_in_dim3A_391 = vector.shape_cast %get3A_390 : vector<128xf32> to vector<1x128xf32>
    %mul3A_392 = vector.broadcast %broadcast_in_dim3A_376 : vector<256x1xf32> to vector<256x128xf32>
    %mul3A_393 = vector.broadcast %broadcast_in_dim3A_391 : vector<1x128xf32> to vector<256x128xf32>
    %mul3A_394 = arith.mulf %mul3A_392, %mul3A_393 : vector<256x128xf32>
    %add3A_395 = arith.addf %add3A_386, %mul3A_394 : vector<256x128xf32>
    %eq3A_396 = arith.constant 15 : i32
    %eq3A_397 = vector.broadcast %eq3A_396 : i32 to vector<256xi32>
    %eq3A_398 = arith.cmpi eq, %select_n3A, %eq3A_397 : vector<256xi32>
    %convert_element_type3A_399 = arith.extui %eq3A_398 : vector<256xi1> to vector<256xi32>
    %convert_element_type3A_400 = arith.sitofp %convert_element_type3A_399 : vector<256xi32> to vector<256xf32>
    %broadcast_in_dim3A_401 = vector.shape_cast %convert_element_type3A_400 : vector<256xf32> to vector<256x1xf32>
    %mul3A_402 = vector.broadcast %broadcast_in_dim3A_401 : vector<256x1xf32> to vector<256x128xf32>
    %mul3A_403 = arith.mulf %get3A_1, %mul3A_402 : vector<256x128xf32>
    %get3A_404 = arith.constant 15 : index
    %get3A_405 = arith.constant 0 : index
    %get3A_406 = arith.constant 0 : index
    %get3A_407 = vector.load %arg5[%get3A_404, %get3A_405, %get3A_406] : memref<24x128x128xf32, #tpu.memory_space<vmem>>, vector<1x128x128xf32>
    %get3A_408 = vector.shape_cast %get3A_407 : vector<1x128x128xf32> to vector<128x128xf32>
    %dot_general3A_409 = arith.constant dense<0.000000e+00> : vector<256x128xf32>
    %dot_general3A_410 = tpu.matmul %mul3A_403, %get3A_408, %dot_general3A_409 {dimension_numbers = #tpu.dot_dimension_numbers<[1], [1], [0], [0], [0, 0, 1, 0], [], []>, transpose_lhs_hint = false} : vector<256x128xf32>, vector<128x128xf32>, vector<256x128xf32> -> vector<256x128xf32>
    %add3A_411 = arith.addf %add3A_395, %dot_general3A_410 : vector<256x128xf32>
    %get3A_412 = arith.constant 15 : index
    %get3A_413 = arith.constant 0 : index
    %get3A_414 = vector.load %arg6[%get3A_412, %get3A_413] : memref<24x128xf32, #tpu.memory_space<vmem>>, vector<1x128xf32>
    %get3A_415 = vector.shape_cast %get3A_414 : vector<1x128xf32> to vector<128xf32>
    %broadcast_in_dim3A_416 = vector.shape_cast %get3A_415 : vector<128xf32> to vector<1x128xf32>
    %mul3A_417 = vector.broadcast %broadcast_in_dim3A_401 : vector<256x1xf32> to vector<256x128xf32>
    %mul3A_418 = vector.broadcast %broadcast_in_dim3A_416 : vector<1x128xf32> to vector<256x128xf32>
    %mul3A_419 = arith.mulf %mul3A_417, %mul3A_418 : vector<256x128xf32>
    %add3A_420 = arith.addf %add3A_411, %mul3A_419 : vector<256x128xf32>
    %eq3A_421 = arith.constant 16 : i32
    %eq3A_422 = vector.broadcast %eq3A_421 : i32 to vector<256xi32>
    %eq3A_423 = arith.cmpi eq, %select_n3A, %eq3A_422 : vector<256xi32>
    %convert_element_type3A_424 = arith.extui %eq3A_423 : vector<256xi1> to vector<256xi32>
    %convert_element_type3A_425 = arith.sitofp %convert_element_type3A_424 : vector<256xi32> to vector<256xf32>
    %broadcast_in_dim3A_426 = vector.shape_cast %convert_element_type3A_425 : vector<256xf32> to vector<256x1xf32>
    %mul3A_427 = vector.broadcast %broadcast_in_dim3A_426 : vector<256x1xf32> to vector<256x128xf32>
    %mul3A_428 = arith.mulf %get3A_1, %mul3A_427 : vector<256x128xf32>
    %get3A_429 = arith.constant 16 : index
    %get3A_430 = arith.constant 0 : index
    %get3A_431 = arith.constant 0 : index
    %get3A_432 = vector.load %arg5[%get3A_429, %get3A_430, %get3A_431] : memref<24x128x128xf32, #tpu.memory_space<vmem>>, vector<1x128x128xf32>
    %get3A_433 = vector.shape_cast %get3A_432 : vector<1x128x128xf32> to vector<128x128xf32>
    %dot_general3A_434 = arith.constant dense<0.000000e+00> : vector<256x128xf32>
    %dot_general3A_435 = tpu.matmul %mul3A_428, %get3A_433, %dot_general3A_434 {dimension_numbers = #tpu.dot_dimension_numbers<[1], [1], [0], [0], [0, 0, 1, 0], [], []>, transpose_lhs_hint = false} : vector<256x128xf32>, vector<128x128xf32>, vector<256x128xf32> -> vector<256x128xf32>
    %add3A_436 = arith.addf %add3A_420, %dot_general3A_435 : vector<256x128xf32>
    %get3A_437 = arith.constant 16 : index
    %get3A_438 = arith.constant 0 : index
    %get3A_439 = vector.load %arg6[%get3A_437, %get3A_438] : memref<24x128xf32, #tpu.memory_space<vmem>>, vector<1x128xf32>
    %get3A_440 = vector.shape_cast %get3A_439 : vector<1x128xf32> to vector<128xf32>
    %broadcast_in_dim3A_441 = vector.shape_cast %get3A_440 : vector<128xf32> to vector<1x128xf32>
    %mul3A_442 = vector.broadcast %broadcast_in_dim3A_426 : vector<256x1xf32> to vector<256x128xf32>
    %mul3A_443 = vector.broadcast %broadcast_in_dim3A_441 : vector<1x128xf32> to vector<256x128xf32>
    %mul3A_444 = arith.mulf %mul3A_442, %mul3A_443 : vector<256x128xf32>
    %add3A_445 = arith.addf %add3A_436, %mul3A_444 : vector<256x128xf32>
    %eq3A_446 = arith.constant 17 : i32
    %eq3A_447 = vector.broadcast %eq3A_446 : i32 to vector<256xi32>
    %eq3A_448 = arith.cmpi eq, %select_n3A, %eq3A_447 : vector<256xi32>
    %convert_element_type3A_449 = arith.extui %eq3A_448 : vector<256xi1> to vector<256xi32>
    %convert_element_type3A_450 = arith.sitofp %convert_element_type3A_449 : vector<256xi32> to vector<256xf32>
    %broadcast_in_dim3A_451 = vector.shape_cast %convert_element_type3A_450 : vector<256xf32> to vector<256x1xf32>
    %mul3A_452 = vector.broadcast %broadcast_in_dim3A_451 : vector<256x1xf32> to vector<256x128xf32>
    %mul3A_453 = arith.mulf %get3A_1, %mul3A_452 : vector<256x128xf32>
    %get3A_454 = arith.constant 17 : index
    %get3A_455 = arith.constant 0 : index
    %get3A_456 = arith.constant 0 : index
    %get3A_457 = vector.load %arg5[%get3A_454, %get3A_455, %get3A_456] : memref<24x128x128xf32, #tpu.memory_space<vmem>>, vector<1x128x128xf32>
    %get3A_458 = vector.shape_cast %get3A_457 : vector<1x128x128xf32> to vector<128x128xf32>
    %dot_general3A_459 = arith.constant dense<0.000000e+00> : vector<256x128xf32>
    %dot_general3A_460 = tpu.matmul %mul3A_453, %get3A_458, %dot_general3A_459 {dimension_numbers = #tpu.dot_dimension_numbers<[1], [1], [0], [0], [0, 0, 1, 0], [], []>, transpose_lhs_hint = false} : vector<256x128xf32>, vector<128x128xf32>, vector<256x128xf32> -> vector<256x128xf32>
    %add3A_461 = arith.addf %add3A_445, %dot_general3A_460 : vector<256x128xf32>
    %get3A_462 = arith.constant 17 : index
    %get3A_463 = arith.constant 0 : index
    %get3A_464 = vector.load %arg6[%get3A_462, %get3A_463] : memref<24x128xf32, #tpu.memory_space<vmem>>, vector<1x128xf32>
    %get3A_465 = vector.shape_cast %get3A_464 : vector<1x128xf32> to vector<128xf32>
    %broadcast_in_dim3A_466 = vector.shape_cast %get3A_465 : vector<128xf32> to vector<1x128xf32>
    %mul3A_467 = vector.broadcast %broadcast_in_dim3A_451 : vector<256x1xf32> to vector<256x128xf32>
    %mul3A_468 = vector.broadcast %broadcast_in_dim3A_466 : vector<1x128xf32> to vector<256x128xf32>
    %mul3A_469 = arith.mulf %mul3A_467, %mul3A_468 : vector<256x128xf32>
    %add3A_470 = arith.addf %add3A_461, %mul3A_469 : vector<256x128xf32>
    %eq3A_471 = arith.constant 18 : i32
    %eq3A_472 = vector.broadcast %eq3A_471 : i32 to vector<256xi32>
    %eq3A_473 = arith.cmpi eq, %select_n3A, %eq3A_472 : vector<256xi32>
    %convert_element_type3A_474 = arith.extui %eq3A_473 : vector<256xi1> to vector<256xi32>
    %convert_element_type3A_475 = arith.sitofp %convert_element_type3A_474 : vector<256xi32> to vector<256xf32>
    %broadcast_in_dim3A_476 = vector.shape_cast %convert_element_type3A_475 : vector<256xf32> to vector<256x1xf32>
    %mul3A_477 = vector.broadcast %broadcast_in_dim3A_476 : vector<256x1xf32> to vector<256x128xf32>
    %mul3A_478 = arith.mulf %get3A_1, %mul3A_477 : vector<256x128xf32>
    %get3A_479 = arith.constant 18 : index
    %get3A_480 = arith.constant 0 : index
    %get3A_481 = arith.constant 0 : index
    %get3A_482 = vector.load %arg5[%get3A_479, %get3A_480, %get3A_481] : memref<24x128x128xf32, #tpu.memory_space<vmem>>, vector<1x128x128xf32>
    %get3A_483 = vector.shape_cast %get3A_482 : vector<1x128x128xf32> to vector<128x128xf32>
    %dot_general3A_484 = arith.constant dense<0.000000e+00> : vector<256x128xf32>
    %dot_general3A_485 = tpu.matmul %mul3A_478, %get3A_483, %dot_general3A_484 {dimension_numbers = #tpu.dot_dimension_numbers<[1], [1], [0], [0], [0, 0, 1, 0], [], []>, transpose_lhs_hint = false} : vector<256x128xf32>, vector<128x128xf32>, vector<256x128xf32> -> vector<256x128xf32>
    %add3A_486 = arith.addf %add3A_470, %dot_general3A_485 : vector<256x128xf32>
    %get3A_487 = arith.constant 18 : index
    %get3A_488 = arith.constant 0 : index
    %get3A_489 = vector.load %arg6[%get3A_487, %get3A_488] : memref<24x128xf32, #tpu.memory_space<vmem>>, vector<1x128xf32>
    %get3A_490 = vector.shape_cast %get3A_489 : vector<1x128xf32> to vector<128xf32>
    %broadcast_in_dim3A_491 = vector.shape_cast %get3A_490 : vector<128xf32> to vector<1x128xf32>
    %mul3A_492 = vector.broadcast %broadcast_in_dim3A_476 : vector<256x1xf32> to vector<256x128xf32>
    %mul3A_493 = vector.broadcast %broadcast_in_dim3A_491 : vector<1x128xf32> to vector<256x128xf32>
    %mul3A_494 = arith.mulf %mul3A_492, %mul3A_493 : vector<256x128xf32>
    %add3A_495 = arith.addf %add3A_486, %mul3A_494 : vector<256x128xf32>
    %eq3A_496 = arith.constant 19 : i32
    %eq3A_497 = vector.broadcast %eq3A_496 : i32 to vector<256xi32>
    %eq3A_498 = arith.cmpi eq, %select_n3A, %eq3A_497 : vector<256xi32>
    %convert_element_type3A_499 = arith.extui %eq3A_498 : vector<256xi1> to vector<256xi32>
    %convert_element_type3A_500 = arith.sitofp %convert_element_type3A_499 : vector<256xi32> to vector<256xf32>
    %broadcast_in_dim3A_501 = vector.shape_cast %convert_element_type3A_500 : vector<256xf32> to vector<256x1xf32>
    %mul3A_502 = vector.broadcast %broadcast_in_dim3A_501 : vector<256x1xf32> to vector<256x128xf32>
    %mul3A_503 = arith.mulf %get3A_1, %mul3A_502 : vector<256x128xf32>
    %get3A_504 = arith.constant 19 : index
    %get3A_505 = arith.constant 0 : index
    %get3A_506 = arith.constant 0 : index
    %get3A_507 = vector.load %arg5[%get3A_504, %get3A_505, %get3A_506] : memref<24x128x128xf32, #tpu.memory_space<vmem>>, vector<1x128x128xf32>
    %get3A_508 = vector.shape_cast %get3A_507 : vector<1x128x128xf32> to vector<128x128xf32>
    %dot_general3A_509 = arith.constant dense<0.000000e+00> : vector<256x128xf32>
    %dot_general3A_510 = tpu.matmul %mul3A_503, %get3A_508, %dot_general3A_509 {dimension_numbers = #tpu.dot_dimension_numbers<[1], [1], [0], [0], [0, 0, 1, 0], [], []>, transpose_lhs_hint = false} : vector<256x128xf32>, vector<128x128xf32>, vector<256x128xf32> -> vector<256x128xf32>
    %add3A_511 = arith.addf %add3A_495, %dot_general3A_510 : vector<256x128xf32>
    %get3A_512 = arith.constant 19 : index
    %get3A_513 = arith.constant 0 : index
    %get3A_514 = vector.load %arg6[%get3A_512, %get3A_513] : memref<24x128xf32, #tpu.memory_space<vmem>>, vector<1x128xf32>
    %get3A_515 = vector.shape_cast %get3A_514 : vector<1x128xf32> to vector<128xf32>
    %broadcast_in_dim3A_516 = vector.shape_cast %get3A_515 : vector<128xf32> to vector<1x128xf32>
    %mul3A_517 = vector.broadcast %broadcast_in_dim3A_501 : vector<256x1xf32> to vector<256x128xf32>
    %mul3A_518 = vector.broadcast %broadcast_in_dim3A_516 : vector<1x128xf32> to vector<256x128xf32>
    %mul3A_519 = arith.mulf %mul3A_517, %mul3A_518 : vector<256x128xf32>
    %add3A_520 = arith.addf %add3A_511, %mul3A_519 : vector<256x128xf32>
    %eq3A_521 = arith.constant 20 : i32
    %eq3A_522 = vector.broadcast %eq3A_521 : i32 to vector<256xi32>
    %eq3A_523 = arith.cmpi eq, %select_n3A, %eq3A_522 : vector<256xi32>
    %convert_element_type3A_524 = arith.extui %eq3A_523 : vector<256xi1> to vector<256xi32>
    %convert_element_type3A_525 = arith.sitofp %convert_element_type3A_524 : vector<256xi32> to vector<256xf32>
    %broadcast_in_dim3A_526 = vector.shape_cast %convert_element_type3A_525 : vector<256xf32> to vector<256x1xf32>
    %mul3A_527 = vector.broadcast %broadcast_in_dim3A_526 : vector<256x1xf32> to vector<256x128xf32>
    %mul3A_528 = arith.mulf %get3A_1, %mul3A_527 : vector<256x128xf32>
    %get3A_529 = arith.constant 20 : index
    %get3A_530 = arith.constant 0 : index
    %get3A_531 = arith.constant 0 : index
    %get3A_532 = vector.load %arg5[%get3A_529, %get3A_530, %get3A_531] : memref<24x128x128xf32, #tpu.memory_space<vmem>>, vector<1x128x128xf32>
    %get3A_533 = vector.shape_cast %get3A_532 : vector<1x128x128xf32> to vector<128x128xf32>
    %dot_general3A_534 = arith.constant dense<0.000000e+00> : vector<256x128xf32>
    %dot_general3A_535 = tpu.matmul %mul3A_528, %get3A_533, %dot_general3A_534 {dimension_numbers = #tpu.dot_dimension_numbers<[1], [1], [0], [0], [0, 0, 1, 0], [], []>, transpose_lhs_hint = false} : vector<256x128xf32>, vector<128x128xf32>, vector<256x128xf32> -> vector<256x128xf32>
    %add3A_536 = arith.addf %add3A_520, %dot_general3A_535 : vector<256x128xf32>
    %get3A_537 = arith.constant 20 : index
    %get3A_538 = arith.constant 0 : index
    %get3A_539 = vector.load %arg6[%get3A_537, %get3A_538] : memref<24x128xf32, #tpu.memory_space<vmem>>, vector<1x128xf32>
    %get3A_540 = vector.shape_cast %get3A_539 : vector<1x128xf32> to vector<128xf32>
    %broadcast_in_dim3A_541 = vector.shape_cast %get3A_540 : vector<128xf32> to vector<1x128xf32>
    %mul3A_542 = vector.broadcast %broadcast_in_dim3A_526 : vector<256x1xf32> to vector<256x128xf32>
    %mul3A_543 = vector.broadcast %broadcast_in_dim3A_541 : vector<1x128xf32> to vector<256x128xf32>
    %mul3A_544 = arith.mulf %mul3A_542, %mul3A_543 : vector<256x128xf32>
    %add3A_545 = arith.addf %add3A_536, %mul3A_544 : vector<256x128xf32>
    %eq3A_546 = arith.constant 21 : i32
    %eq3A_547 = vector.broadcast %eq3A_546 : i32 to vector<256xi32>
    %eq3A_548 = arith.cmpi eq, %select_n3A, %eq3A_547 : vector<256xi32>
    %convert_element_type3A_549 = arith.extui %eq3A_548 : vector<256xi1> to vector<256xi32>
    %convert_element_type3A_550 = arith.sitofp %convert_element_type3A_549 : vector<256xi32> to vector<256xf32>
    %broadcast_in_dim3A_551 = vector.shape_cast %convert_element_type3A_550 : vector<256xf32> to vector<256x1xf32>
    %mul3A_552 = vector.broadcast %broadcast_in_dim3A_551 : vector<256x1xf32> to vector<256x128xf32>
    %mul3A_553 = arith.mulf %get3A_1, %mul3A_552 : vector<256x128xf32>
    %get3A_554 = arith.constant 21 : index
    %get3A_555 = arith.constant 0 : index
    %get3A_556 = arith.constant 0 : index
    %get3A_557 = vector.load %arg5[%get3A_554, %get3A_555, %get3A_556] : memref<24x128x128xf32, #tpu.memory_space<vmem>>, vector<1x128x128xf32>
    %get3A_558 = vector.shape_cast %get3A_557 : vector<1x128x128xf32> to vector<128x128xf32>
    %dot_general3A_559 = arith.constant dense<0.000000e+00> : vector<256x128xf32>
    %dot_general3A_560 = tpu.matmul %mul3A_553, %get3A_558, %dot_general3A_559 {dimension_numbers = #tpu.dot_dimension_numbers<[1], [1], [0], [0], [0, 0, 1, 0], [], []>, transpose_lhs_hint = false} : vector<256x128xf32>, vector<128x128xf32>, vector<256x128xf32> -> vector<256x128xf32>
    %add3A_561 = arith.addf %add3A_545, %dot_general3A_560 : vector<256x128xf32>
    %get3A_562 = arith.constant 21 : index
    %get3A_563 = arith.constant 0 : index
    %get3A_564 = vector.load %arg6[%get3A_562, %get3A_563] : memref<24x128xf32, #tpu.memory_space<vmem>>, vector<1x128xf32>
    %get3A_565 = vector.shape_cast %get3A_564 : vector<1x128xf32> to vector<128xf32>
    %broadcast_in_dim3A_566 = vector.shape_cast %get3A_565 : vector<128xf32> to vector<1x128xf32>
    %mul3A_567 = vector.broadcast %broadcast_in_dim3A_551 : vector<256x1xf32> to vector<256x128xf32>
    %mul3A_568 = vector.broadcast %broadcast_in_dim3A_566 : vector<1x128xf32> to vector<256x128xf32>
    %mul3A_569 = arith.mulf %mul3A_567, %mul3A_568 : vector<256x128xf32>
    %add3A_570 = arith.addf %add3A_561, %mul3A_569 : vector<256x128xf32>
    %eq3A_571 = arith.constant 22 : i32
    %eq3A_572 = vector.broadcast %eq3A_571 : i32 to vector<256xi32>
    %eq3A_573 = arith.cmpi eq, %select_n3A, %eq3A_572 : vector<256xi32>
    %convert_element_type3A_574 = arith.extui %eq3A_573 : vector<256xi1> to vector<256xi32>
    %convert_element_type3A_575 = arith.sitofp %convert_element_type3A_574 : vector<256xi32> to vector<256xf32>
    %broadcast_in_dim3A_576 = vector.shape_cast %convert_element_type3A_575 : vector<256xf32> to vector<256x1xf32>
    %mul3A_577 = vector.broadcast %broadcast_in_dim3A_576 : vector<256x1xf32> to vector<256x128xf32>
    %mul3A_578 = arith.mulf %get3A_1, %mul3A_577 : vector<256x128xf32>
    %get3A_579 = arith.constant 22 : index
    %get3A_580 = arith.constant 0 : index
    %get3A_581 = arith.constant 0 : index
    %get3A_582 = vector.load %arg5[%get3A_579, %get3A_580, %get3A_581] : memref<24x128x128xf32, #tpu.memory_space<vmem>>, vector<1x128x128xf32>
    %get3A_583 = vector.shape_cast %get3A_582 : vector<1x128x128xf32> to vector<128x128xf32>
    %dot_general3A_584 = arith.constant dense<0.000000e+00> : vector<256x128xf32>
    %dot_general3A_585 = tpu.matmul %mul3A_578, %get3A_583, %dot_general3A_584 {dimension_numbers = #tpu.dot_dimension_numbers<[1], [1], [0], [0], [0, 0, 1, 0], [], []>, transpose_lhs_hint = false} : vector<256x128xf32>, vector<128x128xf32>, vector<256x128xf32> -> vector<256x128xf32>
    %add3A_586 = arith.addf %add3A_570, %dot_general3A_585 : vector<256x128xf32>
    %get3A_587 = arith.constant 22 : index
    %get3A_588 = arith.constant 0 : index
    %get3A_589 = vector.load %arg6[%get3A_587, %get3A_588] : memref<24x128xf32, #tpu.memory_space<vmem>>, vector<1x128xf32>
    %get3A_590 = vector.shape_cast %get3A_589 : vector<1x128xf32> to vector<128xf32>
    %broadcast_in_dim3A_591 = vector.shape_cast %get3A_590 : vector<128xf32> to vector<1x128xf32>
    %mul3A_592 = vector.broadcast %broadcast_in_dim3A_576 : vector<256x1xf32> to vector<256x128xf32>
    %mul3A_593 = vector.broadcast %broadcast_in_dim3A_591 : vector<1x128xf32> to vector<256x128xf32>
    %mul3A_594 = arith.mulf %mul3A_592, %mul3A_593 : vector<256x128xf32>
    %add3A_595 = arith.addf %add3A_586, %mul3A_594 : vector<256x128xf32>
    %eq3A_596 = arith.constant 23 : i32
    %eq3A_597 = vector.broadcast %eq3A_596 : i32 to vector<256xi32>
    %eq3A_598 = arith.cmpi eq, %select_n3A, %eq3A_597 : vector<256xi32>
    %convert_element_type3A_599 = arith.extui %eq3A_598 : vector<256xi1> to vector<256xi32>
    %convert_element_type3A_600 = arith.sitofp %convert_element_type3A_599 : vector<256xi32> to vector<256xf32>
    %broadcast_in_dim3A_601 = vector.shape_cast %convert_element_type3A_600 : vector<256xf32> to vector<256x1xf32>
    %mul3A_602 = vector.broadcast %broadcast_in_dim3A_601 : vector<256x1xf32> to vector<256x128xf32>
    %mul3A_603 = arith.mulf %get3A_1, %mul3A_602 : vector<256x128xf32>
    %get3A_604 = arith.constant 23 : index
    %get3A_605 = arith.constant 0 : index
    %get3A_606 = arith.constant 0 : index
    %get3A_607 = vector.load %arg5[%get3A_604, %get3A_605, %get3A_606] : memref<24x128x128xf32, #tpu.memory_space<vmem>>, vector<1x128x128xf32>
    %get3A_608 = vector.shape_cast %get3A_607 : vector<1x128x128xf32> to vector<128x128xf32>
    %dot_general3A_609 = arith.constant dense<0.000000e+00> : vector<256x128xf32>
    %dot_general3A_610 = tpu.matmul %mul3A_603, %get3A_608, %dot_general3A_609 {dimension_numbers = #tpu.dot_dimension_numbers<[1], [1], [0], [0], [0, 0, 1, 0], [], []>, transpose_lhs_hint = false} : vector<256x128xf32>, vector<128x128xf32>, vector<256x128xf32> -> vector<256x128xf32>
    %add3A_611 = arith.addf %add3A_595, %dot_general3A_610 : vector<256x128xf32>
    %get3A_612 = arith.constant 23 : index
    %get3A_613 = arith.constant 0 : index
    %get3A_614 = vector.load %arg6[%get3A_612, %get3A_613] : memref<24x128xf32, #tpu.memory_space<vmem>>, vector<1x128xf32>
    %get3A_615 = vector.shape_cast %get3A_614 : vector<1x128xf32> to vector<128xf32>
    %broadcast_in_dim3A_616 = vector.shape_cast %get3A_615 : vector<128xf32> to vector<1x128xf32>
    %mul3A_617 = vector.broadcast %broadcast_in_dim3A_601 : vector<256x1xf32> to vector<256x128xf32>
    %mul3A_618 = vector.broadcast %broadcast_in_dim3A_616 : vector<1x128xf32> to vector<256x128xf32>
    %mul3A_619 = arith.mulf %mul3A_617, %mul3A_618 : vector<256x128xf32>
    %add3A_620 = arith.addf %add3A_611, %mul3A_619 : vector<256x128xf32>
    %get3A_621 = arith.constant 0 : index
    %get3A_622 = arith.constant 0 : index
    %get3A_623 = vector.load %arg4[%get3A_621, %get3A_622] : memref<256x1xf32, #tpu.memory_space<vmem>>, vector<256x1xf32>
    %mul3A_624 = vector.broadcast %get3A_623 : vector<256x1xf32> to vector<256x128xf32>
    %mul3A_625 = arith.mulf %add3A_620, %mul3A_624 : vector<256x128xf32>
    %swap3A = arith.constant 0 : index
    %swap3A_626 = arith.constant 0 : index
    %swap3A_627 = vector.load %arg7[%swap3A, %swap3A_626] : memref<256x128xf32, #tpu.memory_space<vmem>>, vector<256x128xf32>
    tpu.vector_store %arg7[%swap3A, %swap3A_626], %mul3A_625 {strides = array<i32>} : memref<256x128xf32, #tpu.memory_space<vmem>>, vector<256x128xf32>,
    %eq3A_628 = arith.constant 0 : i32
    %eq3A_629 = arith.cmpi eq, %arg0, %eq3A_628 : i32
    %convert_element_type3A_630 = arith.extui %eq3A_629 : i1 to i32
    %cond3A = arith.constant 0 : i32
    %cond3A_631 = arith.cmpi ne, %convert_element_type3A_630, %cond3A : i32
    scf.if %cond3A_631 {
      %broadcast_in_dim3A_656 = arith.constant 0.000000e+00 : f32
      %broadcast_in_dim3A_657 = vector.broadcast %broadcast_in_dim3A_656 : f32 to vector<2x128xf32>
      %swap3A_658 = arith.constant 0 : index
      %swap3A_659 = arith.constant 0 : index
      %swap3A_660 = vector.load %arg8[%swap3A_658, %swap3A_659] : memref<2x128xf32, #tpu.memory_space<vmem>>, vector<2x128xf32>
      tpu.vector_store %arg8[%swap3A_658, %swap3A_659], %broadcast_in_dim3A_657 {strides = array<i32>} : memref<2x128xf32, #tpu.memory_space<vmem>>, vector<2x128xf32>,
    } else {
    }
    %get3A_632 = arith.constant 0 : index
    %get3A_633 = arith.constant 0 : index
    %get3A_634 = vector.load %arg8[%get3A_632, %get3A_633] : memref<2x128xf32, #tpu.memory_space<vmem>>, vector<1x128xf32>
    %get3A_635 = vector.shape_cast %get3A_634 : vector<1x128xf32> to vector<128xf32>
    %reduce_sum3A = arith.constant dense<0.000000e+00> : vector<128xf32>
    %reduce_sum3A_636 = vector.multi_reduction <add>, %mul3A_625, %reduce_sum3A [0] : vector<256x128xf32> to vector<128xf32>
    %add3A_637 = arith.addf %get3A_635, %reduce_sum3A_636 : vector<128xf32>
    %swap3A_638 = arith.constant 0 : index
    %swap3A_639 = arith.constant 0 : index
    %swap3A_640 = vector.load %arg8[%swap3A_638, %swap3A_639] : memref<2x128xf32, #tpu.memory_space<vmem>>, vector<1x128xf32>
    %swap3A_641 = vector.shape_cast %swap3A_640 : vector<1x128xf32> to vector<128xf32>
    %swap3A_642 = vector.shape_cast %add3A_637 : vector<128xf32> to vector<1x128xf32>
    tpu.vector_store %arg8[%swap3A_638, %swap3A_639], %swap3A_642 {strides = array<i32>} : memref<2x128xf32, #tpu.memory_space<vmem>>, vector<1x128xf32>,
    %get3A_643 = arith.constant 1 : index
    %get3A_644 = arith.constant 0 : index
    %get3A_645 = vector.load %arg8[%get3A_643, %get3A_644] : memref<2x128xf32, #tpu.memory_space<vmem>>, vector<1x128xf32>
    %get3A_646 = vector.shape_cast %get3A_645 : vector<1x128xf32> to vector<128xf32>
    %mul3A_647 = arith.mulf %mul3A_625, %mul3A_625 : vector<256x128xf32>
    %reduce_sum3A_648 = arith.constant dense<0.000000e+00> : vector<128xf32>
    %reduce_sum3A_649 = vector.multi_reduction <add>, %mul3A_647, %reduce_sum3A_648 [0] : vector<256x128xf32> to vector<128xf32>
    %add3A_650 = arith.addf %get3A_646, %reduce_sum3A_649 : vector<128xf32>
    %swap3A_651 = arith.constant 1 : index
    %swap3A_652 = arith.constant 0 : index
    %swap3A_653 = vector.load %arg8[%swap3A_651, %swap3A_652] : memref<2x128xf32, #tpu.memory_space<vmem>>, vector<1x128xf32>
    %swap3A_654 = vector.shape_cast %swap3A_653 : vector<1x128xf32> to vector<128xf32>
    %swap3A_655 = vector.shape_cast %add3A_650 : vector<128xf32> to vector<1x128xf32>
    tpu.vector_store %arg8[%swap3A_651, %swap3A_652], %swap3A_655 {strides = array<i32>} : memref<2x128xf32, #tpu.memory_space<vmem>>, vector<1x128xf32>,
    return
  }
  func.func @transform_0(%arg0: i32) -> (i32, i32) {
    %c0_i32 = arith.constant 0 : i32
    %c0_i32_0 = arith.constant 0 : i32
    return %arg0, %c0_i32 : i32, i32
  }
  func.func @transform_1(%arg0: i32) -> (i32, i32, i32) {
    %c0_i32 = arith.constant 0 : i32
    %c0_i32_0 = arith.constant 0 : i32
    %c0_i32_1 = arith.constant 0 : i32
    return %arg0, %c0_i32, %c0_i32_0 : i32, i32, i32
  }
  func.func @transform_2(%arg0: i32) -> (i32, i32, i32) {
    %c0_i32 = arith.constant 0 : i32
    %c0_i32_0 = arith.constant 0 : i32
    %c0_i32_1 = arith.constant 0 : i32
    return %arg0, %c0_i32, %c0_i32_0 : i32, i32, i32
  }
  func.func @transform_3(%arg0: i32) -> (i32, i32) {
    %c0_i32 = arith.constant 0 : i32
    %c0_i32_0 = arith.constant 0 : i32
    return %arg0, %c0_i32 : i32, i32
  }
  func.func @transform_4(%arg0: i32) -> (i32, i32, i32) {
    %c0_i32 = arith.constant 0 : i32
    %c0_i32_0 = arith.constant 0 : i32
    %c0_i32_1 = arith.constant 0 : i32
    %c0_i32_2 = arith.constant 0 : i32
    return %c0_i32, %c0_i32_0, %c0_i32_1 : i32, i32, i32
  }
  func.func @transform_5(%arg0: i32) -> (i32, i32) {
    %c0_i32 = arith.constant 0 : i32
    %c0_i32_0 = arith.constant 0 : i32
    %c0_i32_1 = arith.constant 0 : i32
    return %c0_i32, %c0_i32_0 : i32, i32
  }
  func.func @transform_6(%arg0: i32) -> (i32, i32) {
    %c0_i32 = arith.constant 0 : i32
    %c0_i32_0 = arith.constant 0 : i32
    return %arg0, %c0_i32 : i32, i32
  }
  func.func @transform_7(%arg0: i32) -> (i32, i32) {
    %c0_i32 = arith.constant 0 : i32
    %c0_i32_0 = arith.constant 0 : i32
    %c0_i32_1 = arith.constant 0 : i32
    return %c0_i32, %c0_i32_0 : i32, i32
  }
}

module attributes {stable_mosaic.version = 14 : i64} {
  func.func @body(%arg0: i32, %arg1: memref<256x128xf32, #tpu.memory_space<vmem>>, %arg2: memref<128x128xf32, #tpu.memory_space<vmem>>, %arg3: memref<1x128xf32, #tpu.memory_space<vmem>>, %arg4: memref<256x128xf32, #tpu.memory_space<vmem>>) attributes {dimension_semantics = [#tpu.dimension_semantics<arbitrary>], iteration_bounds = array<i64: 40>, scalar_prefetch = 0 : i64, scratch_operands = 0 : i64, tpu.core_type = #tpu.core_type<tc>, window_params = [{transform_indices = @transform_0, window_bounds = array<i64: 256, 128>}, {pipeline_mode = #tpu.pipeline_mode<synchronous>, transform_indices = @transform_1, window_bounds = array<i64: 128, 128>}, {pipeline_mode = #tpu.pipeline_mode<synchronous>, transform_indices = @transform_2, window_bounds = array<i64: 1, 128>}, {transform_indices = @transform_3, window_bounds = array<i64: 256, 128>}]} {
    %get3A = arith.constant 0 : index
    %get3A_0 = arith.constant 0 : index
    %get3A_1 = vector.load %arg1[%get3A, %get3A_0] : memref<256x128xf32, #tpu.memory_space<vmem>>, vector<256x128xf32>
    %get3A_2 = arith.constant 0 : index
    %get3A_3 = arith.constant 0 : index
    %get3A_4 = vector.load %arg2[%get3A_2, %get3A_3] : memref<128x128xf32, #tpu.memory_space<vmem>>, vector<128x128xf32>
    %dot_general3A = arith.constant dense<0.000000e+00> : vector<256x128xf32>
    %dot_general3A_5 = tpu.matmul %get3A_1, %get3A_4, %dot_general3A {dimension_numbers = #tpu.dot_dimension_numbers<[1], [1], [0], [0], [0, 0, 1, 0], [], []>, transpose_lhs_hint = false} : vector<256x128xf32>, vector<128x128xf32>, vector<256x128xf32> -> vector<256x128xf32>
    %get3A_6 = arith.constant 0 : index
    %get3A_7 = arith.constant 0 : index
    %get3A_8 = vector.load %arg3[%get3A_6, %get3A_7] : memref<1x128xf32, #tpu.memory_space<vmem>>, vector<1x128xf32>
    %get3A_9 = vector.shape_cast %get3A_8 : vector<1x128xf32> to vector<128xf32>
    %broadcast_in_dim3A = vector.shape_cast %get3A_9 : vector<128xf32> to vector<1x128xf32>
    %add3A = vector.broadcast %broadcast_in_dim3A : vector<1x128xf32> to vector<256x128xf32>
    %add3A_10 = arith.addf %dot_general3A_5, %add3A : vector<256x128xf32>
    %swap3A = arith.constant 0 : index
    %swap3A_11 = arith.constant 0 : index
    %swap3A_12 = vector.load %arg4[%swap3A, %swap3A_11] : memref<256x128xf32, #tpu.memory_space<vmem>>, vector<256x128xf32>
    tpu.vector_store %arg4[%swap3A, %swap3A_11], %add3A_10 {strides = array<i32>} : memref<256x128xf32, #tpu.memory_space<vmem>>, vector<256x128xf32>,
    return
  }
  func.func @transform_0(%arg0: i32) -> (i32, i32) {
    %c0_i32 = arith.constant 0 : i32
    %c0_i32_0 = arith.constant 0 : i32
    return %arg0, %c0_i32 : i32, i32
  }
  func.func @transform_1(%arg0: i32) -> (i32, i32) {
    %c0_i32 = arith.constant 0 : i32
    %c0_i32_0 = arith.constant 0 : i32
    %c0_i32_1 = arith.constant 0 : i32
    return %c0_i32, %c0_i32_0 : i32, i32
  }
  func.func @transform_2(%arg0: i32) -> (i32, i32) {
    %c0_i32 = arith.constant 0 : i32
    %c0_i32_0 = arith.constant 0 : i32
    %c0_i32_1 = arith.constant 0 : i32
    return %c0_i32, %c0_i32_0 : i32, i32
  }
  func.func @transform_3(%arg0: i32) -> (i32, i32) {
    %c0_i32 = arith.constant 0 : i32
    %c0_i32_0 = arith.constant 0 : i32
    return %arg0, %c0_i32 : i32, i32
  }
}

</mosaic_0001>

<sc_bundles>
// kernel: kernel.10.cloned.1.call-start
scs
__scs_entry_jumppad:
0x0: {  	(pc) =	sbr.rel $0x88, $3  }
0x1: {  	(tag) =	ssettag $0x0;
	lr =	simm.s32 $0x1  }
0x2: {  	[smem:$0x3F9A] =	sst lr;
	_ =	strace $0xD0000000  }
0x3: {  	_ = 	snop  }
0x4: {  	_ = 	snop  }
0x5: {  	_ = 	snop  }
0x6: {  	_ = 	snop  }
0x7: {  	_ = 	snop  }
__scs_overlays_trampoline_lowered:
0x8: {  	[smem:$0x3FA9] =	sst s0  }
0x9: {  	[smem:$0x3FAA] =	sst s1  }
0xa: {  	[smem:$0x3FAB] =	sst s2  }
0xb: {  	[smem:$0x3FAC] =	sst s3  }
0xc: {  	[smem:$0x3FAD] =	sst s4  }
0xd: {  	[smem:$0x3FAE] =	sst s5  }
0xe: {  	[smem:$0x3FAF] =	sst s6  }
0xf: {  	[smem:$0x3FB0] =	sst s7  }
0x10: {  	[smem:$0x3FB1] =	sst s8  }
0x11: {  	[smem:$0x3FB2] =	sst s9;
	s0 =	simm.s32 @!p0 $0x0  }
0x12: {  	s1 =	sld [smem:$0x3F98];
	s0 =	simm.s32 @p0 $0x1  }
0x13: {  	[smem:$0x3FB3] =	sst s0;
	s0 =	simm.s32 @!p1 $0x0  }
0x14: {  	s2 =	sld [smem:$0x3F97];
	s0 =	simm.s32 @p1 $0x1  }
0x15: {  	[smem:$0x3FB4] =	sst s0;
	s0 =	simm.s32 @!p2 $0x0  }
0x16: {  	s3 =	sld [smem:$0x3FDB];
	s0 =	simm.s32 @p2 $0x1  }
0x17: {  	s4 =	simm.s32 $0x1BF5;
	[smem:$0x3FB6] =	sst s0  }
0x18: {  	s0 =	sld [smem:$0x3F99];
	_ =	swait.ge [sflag:s4], $0x0  }
0x19: {  	s7 =	sld [smem:$0x3F9A]  }
0x1a: {  	s8 =	sadd.s32 $0xFFFFE003, lr  }
0x1b: {  	s9 =	sadd.s32 $0xFFFFFEF7, lr;
	s5 =	simm.s32 $0xFFFFFFFF;
	p2 =	slt.u32 s8, $0xFFFFF086  }
0x1c: {  	p1 =	slt.u32 s9, $0xF7A;
	s5 =	simm.s32 @!p2 $0x0  }
0x1d: {  	s5 =	simm.s32 @p1 $0x1;
	p0 =	seq.s32 s7, s2  }
0x1e: {  	s7 =	smul.u32 @!p0 $0xF7A, s2;
	p2 =	seq.s32 @!p0 s5, $0x0  }
0x1f: {  	s9 =	smul.u32 $0xF7A, s1;
	s8 =	simm.s32 @!p0 $0x1BF5;
	p2 =	por !p2, p0  }
0x20: {  	[sflag:s8] =	ssyncset.s32 @!p0 $0xFFFFF086;
	s6 =	sadd.s32 @!p0 s3, s7;
	s7 =	simm.s32 @!p0 $0x108  }
0x21: {  	s3 =	sadd.s32 s3, s9;
	s6 =	sadd.s32 @!p0 $0x88, s6;
	s7 =	simm.s32 @p2 $0x1082  }
0x22: {  	[simem:s7], [sflag:s8] =	dma.local @!p0 [hbm:s6], $0xF7A  }
0x23: {  	s9 =	sor.u32 $0xD0000000, s2;
	s6 =	simm.s32 $0x108;
	_ =	swait.ge @!p0 [sflag:s8], $0x0  }
0x24: {  	s3 =	sadd.s32 $0x88, s3;
	s6 =	simm.s32 @!p1 $0x1082;
	[sflag:s4] =	ssyncset.s32 $0xFFFFF086  }
0x25: {  	[simem:s6], [sflag:s4] =	dma.local [hbm:s3], $0xF7A  }
0x26: {  	[smem:$0x3F9A] =	sst s1;
	(tag) =	ssettag s2;
	_ =	strace s9  }
0x27: {  	s1 =	sld [smem:$0x3FAA]  }
0x28: {  	s2 =	sld [smem:$0x3FAB]  }
0x29: {  	s4 =	sld [smem:$0x3FAD]  }
0x2a: {  	p0 =	seq.s32 s5, $0x0;
	s5 =	sld [smem:$0x3FAE]  }
0x2b: {  	s6 =	sld [smem:$0x3FAF]  }
0x2c: {  	s7 =	sld [smem:$0x3FB0]  }
0x2d: {  	s3 =	simm.s32 $0x108;
	s8 =	sld [smem:$0x3FB1]  }
0x2e: {  	s3 =	simm.s32 @!p0 $0x1082;
	s9 =	sld [smem:$0x3FB2]  }
0x2f: {  	lr =	sadd.s32 s0, s3;
	s0 =	sld [smem:$0x3FA9]  }
0x30: {  	s3 =	sld [smem:$0x3FAC]  }
0x31: {  	[smem:$0x3FB5] =	sst s10  }
0x32: {  	s10 =	sld [smem:$0x3FB3];
	_ =	sdelay $0x3  }
0x33: {  	p0 =	seq.s32 s10, $0x1;
	s10 =	sld [smem:$0x3FB5];
	_ =	sdelay $0x3  }
0x34: {  	[smem:$0x3FB5] =	sst s10  }
0x35: {  	s10 =	sld [smem:$0x3FB4];
	_ =	sdelay $0x3  }
0x36: {  	p1 =	seq.s32 s10, $0x1;
	s10 =	sld [smem:$0x3FB5];
	_ =	sdelay $0x3  }
0x37: {  	[smem:$0x3FB5] =	sst s10  }
0x38: {  	s10 =	sld [smem:$0x3FB6]  }
0x39: {  	_ = 	snop;
	(pc) =	sbr.ind lr, $3  }
0x3a: {  	_ = 	snop  }
0x3b: {  	_ = 	snop  }
0x3c: {  	p2 =	seq.s32 s10, $0x1;
	s10 =	sld [smem:$0x3FB5]  }
0x3d: {  	_ =	shalt  }
0x3e: {  	_ =	shalt  }
0x3f: {  	_ =	shalt  }
0x40: {  	_ =	shalt  }
0x41: {  	_ =	shalt  }
0x42: {  	_ =	shalt  }
0x43: {  	_ =	shalt  }
0x44: {  	_ =	shalt  }
0x45: {  	_ =	shalt  }
0x46: {  	_ =	shalt  }
0x47: {  	_ =	shalt  }
0x48: {  	_ =	shalt  }
0x49: {  	_ =	shalt  }
0x4a: {  	_ =	shalt  }
0x4b: {  	_ =	shalt  }
0x4c: {  	_ =	shalt  }
0x4d: {  	_ =	shalt  }
0x4e: {  	_ =	shalt  }
0x4f: {  	_ =	shalt  }
0x50: {  	_ =	shalt  }
0x51: {  	_ =	shalt  }
0x52: {  	_ =	shalt  }
0x53: {  	_ =	shalt  }
0x54: {  	_ =	shalt  }
0x55: {  	_ =	shalt  }
0x56: {  	_ =	shalt  }
0x57: {  	_ =	shalt  }
0x58: {  	_ =	shalt  }
0x59: {  	_ =	shalt  }
0x5a: {  	_ =	shalt  }
0x5b: {  	_ =	shalt  }
0x5c: {  	_ =	shalt  }
0x5d: {  	_ =	shalt  }
0x5e: {  	_ =	shalt  }
0x5f: {  	_ =	shalt  }
0x60: {  	_ =	shalt  }
0x61: {  	_ =	shalt  }
0x62: {  	_ =	shalt  }
0x63: {  	_ =	shalt  }
0x64: {  	_ =	shalt  }
0x65: {  	_ =	shalt  }
0x66: {  	_ =	shalt  }
0x67: {  	_ =	shalt  }
0x68: {  	_ =	shalt  }
0x69: {  	_ =	shalt  }
0x6a: {  	_ =	shalt  }
0x6b: {  	_ =	shalt  }
0x6c: {  	_ =	shalt  }
0x6d: {  	_ =	shalt  }
0x6e: {  	_ =	shalt  }
0x6f: {  	_ =	shalt  }
0x70: {  	_ =	shalt  }
0x71: {  	_ =	shalt  }
0x72: {  	_ =	shalt  }
0x73: {  	_ =	shalt  }
0x74: {  	_ =	shalt  }
0x75: {  	_ =	shalt  }
0x76: {  	_ =	shalt  }
0x77: {  	_ =	shalt  }
0x78: {  	_ =	shalt  }
0x79: {  	_ =	shalt  }
0x7a: {  	_ =	shalt  }
0x7b: {  	_ =	shalt  }
0x7c: {  	_ =	shalt  }
0x7d: {  	_ =	shalt  }
0x7e: {  	_ =	shalt  }
0x7f: {  	_ =	shalt  }
0x80: {  	_ =	shalt  }
0x81: {  	_ =	shalt  }
0x82: {  	_ =	shalt  }
0x83: {  	_ =	shalt  }
0x84: {  	_ =	shalt  }
0x85: {  	_ =	shalt  }
0x86: {  	_ =	shalt  }
0x87: {  	_ =	shalt  }
.Lfunc_end0:
.L_simem_size_0:
called_computation.1_lowered:
.L_overlay_start_0:
0x88: {  	s2 =	sld [smem:$0x3FD9]  }
0x89: {  	s3 =	sld [smem:$0x3FFE];
	_ =	sdelay $0x1  }
0x8a: {  	s1 =	srdreg.scid  }
0x8b: {  	s0 =	sand.u32 $0x1, s1  }
0x8c: {  	s17 =	sshll.u32 s0, $0xA;
	s2 =	sadd.s32 s3, s2  }
0x8d: {  	s2 =	sadd.s32 s2, s17  }
0x8e: {  	[smem:$0x3FC1] =	sst s2  }
0x8f: {  	_ = 	snop  }
0x90: {  	s2 =	sld [smem:$0x3FD0];
	(tm) =	ssettm $0x1  }
0x91: {  	s18 =	sld [smem:$0x3FFB];
	_ =	sdelay $0x3  }
0x92: {  	_ =	strace s18  }
0x93: {  	s3 =	sld [smem:$0x3FFC];
	_ =	sdelay $0x3  }
0x94: {  	_ =	strace s3  }
0x95: {  	s3 =	sld [smem:$0x3FFD];
	_ =	sdelay $0x3  }
0x96: {  	_ =	strace s3  }
0x97: {  	_ =	strace $0x8FFFFFFF  }
0x98: {  	s19 =	sld [smem:$0x3FDB];
	_ =	sdelay $0x1  }
0x99: {  	s4 =	simm.s32 $_scs_section_size  }
0x9a: {  	s5 =	simm.s32 $_size__tile_overlayer_lowered;
	s6 =	simm.s32 $_tile_overlayer_lowered  }
0x9b: {  	s22 =	simm.s32 $0x1BFF;
	s21 =	sshll.u32 s6, $0x1;
	s3 =	sadd.s32 s4, s19  }
0x9c: {  	s7 =	simm.s32 $0x0;
	s20 =	sshll.u32 s5, $0x1;
	s5 =	sadd.s32 s21, s3  }
0x9d: {  	[timem:s7], [sflag:s22] =	dma.local [hbm:s5], s20  }
0x9e: {  	_ =	swait.ge [sflag:s22], s20  }
0x9f: {  	s4 =	ssub.s32 $0x0, s20;
	[sflag:s22] =	ssyncset.done $0x0  }
0xa0: {  	[sflag:s22] =	ssyncadd.s32 s4;
	_ =	sdelay $0x1  }
0xa1: {  	s23 =	simm.s32 $0x1B8B  }
0xa2: {  	_ =	swait.ge [sflag:s23], $0x1  }
0xa3: {  	[sflag:s23] =	ssyncset.done $0x0  }
0xa4: {  	s25 =	simm.s32 $0x1B8E;
	s24 =	sld [smem:$0x3FFE];
	[sflag:s23] =	ssyncadd.s32 $0xFFFFFFFF  }
0xa5: {  	s26 =	simm.s32 $execute0_lowered;
	[smem:$0x3FD2] =	sst s25  }
0xa6: {  	s5 =	sshll.u32 s26, $0x1;
	_ =	strace $0x80000049;
	[dreg:$0x1] =	wrdreg $0xFFFFFFFF  }
0xa7: {  	s28 =	simm.s32 $_size_execute0_lowered;
	s3 =	sadd.s32 s3, s5;
	[dreg:$0x0] =	wrdreg $0x0  }
0xa8: {  	s5 =	sshll.u32 s28, $0x1;
	[dreg:$0x2] =	wrdreg s3  }
0xa9: {  	[dreg:$0x3] =	wrdreg s5  }
0xaa: {  	[dreg:$0x4] =	wrdreg $0xC0  }
0xab: {  	_ =	task [dreg:s7], $0x5FFFF  }
0xac: {  	[dreg:$0x1] =	wrdreg $0xFFFFFFFF  }
0xad: {  	[dreg:$0x0] =	wrdreg $0x60  }
0xae: {  	[dreg:$0x2] =	wrdreg s24  }
0xaf: {  	[dreg:$0x3] =	wrdreg s2  }
0xb0: {  	[dreg:$0x4] =	wrdreg $0x2D000  }
0xb1: {  	[dreg:$0x5] =	wrdreg $0x9  }
0xb2: {  	_ =	task.clear_ibuf [dreg:s7], $0x6FFFF;
	_ =	strace $0x90000049  }
0xb3: {  	s29 =	simm.s32 $0x9;
	_ =	strace $0x8000004B  }
0xb4: {  	_ =	swait.ge [sflag:s29], $0x1  }
0xb5: {  	[sflag:s29] =	ssyncadd.s32 $0xFFFFFFFF  }
0xb6: {  	_ =	strace $0x9000004B  }
0xb7: {  	_ =	sfence  }
0xb8: {  	s30 =	sld [smem:$0x0];
	_ =	sdelay $0x2  }
0xb9: {  	s31 =	sshll.u32 s1, $0xD;
	s1 =	sshrl.u32 s1, $0x2  }
0xba: {  	s3 =	sand.u32 $0x4000, s31;
	s1 =	sadd.s32 s1, s30  }
0xbb: {  	s0 =	sor.u32 s3, s0;
	s1 =	sshll.u32 s1, $0x11  }
0xbc: {  	s0 =	sor.u32 s1, s0  }
0xbd: {  	s0 =	sadd.s32 $0x8F2B, s0  }
0xbe: {  	[sflag:s0] =	ssyncadd.remote.s32 $0x1  }
0xbf: {  	_ =	sfence.sel $0xFFFF  }
0xc0: {  	[dreg:$0x0] =	wrdreg $0xFFFFFFFF;
	(pc) =	sbr.abs _section_cstart, $3  }
0xc1: {  	[dreg:$0x1] =	wrdreg $0xFFFFFFFF  }
0xc2: {  	_ =	task.clear_ibuf [dreg:s7], $0x2FFFF;
	_ =	strace $0x9FFFFFFF  }
0xc3: {  	(tm) =	ssettm $0x7FFFFFFF  }
tec
execute0_lowered:
.L_overlay_start_1:
0x0: {  	(tag) =	ssettag $0x1  }
0x1: {  	s8 =	rddreg [dreg:$0x0]  }
0x2: {  	s9 =	rddreg [dreg:$0x1]  }
0x3: {  	s1 =	rddreg [dreg:$0x2];
	s2 =	srdreg.scid  }
0x4: {  	s0 =	rddreg [dreg:$0x3];
	s3 =	simm.s32 $0x0;
	s5 =	sand.u32 $0x1, s2  }
0x5: {  	s13 =	simm.s32 $0x100;
	s2 =	stileid.u32;
	s6 =	smul.u32 $0x140000, s5  }
0x6: {  	s14 =	simm.s32 $0x1;
	s15 =	simm.s32 $0x80;
	s7 =	smul.u32 $0x14000, s2  }
0x7: {  	s18 =	simm.s32 $0x0;
	[smem:$0x7FF] =	sst s3;
	s10 =	smul.u32 $0x50000, s2  }
0x8: {  	s4 =	sadd.s32 $0x9E00, s8;
	_ =	strace $0x8000004A;
	s30 =	smul.u32 $0x27100, s5  }
0x9: {  	s5 =	ssub.s32 $0x2, s5;
	s11 =	smul.u32 $0x2710, s2;
	s16 =	sshll.u32 s2, $0x6  }
0xa: {  	s12 =	sshrl.u32 s5, $0x1;
	s16 =	sor.u32 $0x1C02, s16;
	s6 =	sadd.s32 s7, s6  }
0xb: {  	s10 =	sshrl.u32 s10, $0x2;
	s12 =	ssub.s32 s5, s12;
	s31 =	sadd.s32 s11, s30  }
0xc: {  	s11 =	simm.s32 $0x2;
	s6 =	sshrl.u32 s6, $0x3;
	s5 =	sadd.s32 s10, s1  }
0xd: {  	s7 =	smax.u32 s12, $0x1;
	s10 =	sshrl.u32 s31, $0x3;
	s12 =	simm.s32 $0x50  }
0xe: {  	s6 =	sadd.s32 s6, s8;
	s8 =	sadd.s32 s10, s8;
	s9 =	sadd.s32 s10, s9  }
0xf: {  	v0 =	vimm.f32 $0.0e+00;
	s10 =	simm.s32 $0x2900;
	s17 =	sshrl.u32 s5, $0x3;
	s6 =	sadd.s32 $0x31E00, s6  }
.LBB2_1:
0x10: {  	[tilespmem:$0x2900] =	vst v0  }
0x11: {  	[tilespmem:$0x2910] =	vst v0  }
0x12: {  	[tilespmem:$0x2920] =	vst v0  }
0x13: {  	[tilespmem:$0x2930] =	vst v0  }
0x14: {  	[tilespmem:$0x2940] =	vst v0  }
0x15: {  	[tilespmem:$0x2950] =	vst v0  }
0x16: {  	[tilespmem:$0x2960] =	vst v0  }
0x17: {  	[tilespmem:$0x2970] =	vst v0  }
0x18: {  	[tilespmem:$0x2980] =	vst v0  }
0x19: {  	[tilespmem:$0x2990] =	vst v0  }
0x1a: {  	[tilespmem:$0x29A0] =	vst v0  }
0x1b: {  	[tilespmem:$0x29B0] =	vst v0  }
0x1c: {  	[tilespmem:$0x29C0] =	vst v0  }
0x1d: {  	[tilespmem:$0x29D0] =	vst v0  }
0x1e: {  	[tilespmem:$0x29E0] =	vst v0  }
0x1f: {  	[tilespmem:$0x29F0] =	vst v0  }
0x20: {  	[tilespmem:$0x2A00] =	vst v0  }
0x21: {  	[tilespmem:$0x2A10] =	vst v0  }
0x22: {  	[tilespmem:$0x2A20] =	vst v0  }
0x23: {  	[tilespmem:$0x2A30] =	vst v0  }
0x24: {  	[tilespmem:$0x2A40] =	vst v0  }
0x25: {  	[tilespmem:$0x2A50] =	vst v0  }
0x26: {  	[tilespmem:$0x2A60] =	vst v0  }
0x27: {  	[tilespmem:$0x2A70] =	vst v0  }
0x28: {  	[tilespmem:$0x2A80] =	vst v0  }
0x29: {  	[tilespmem:$0x2A90] =	vst v0  }
0x2a: {  	[tilespmem:$0x2AA0] =	vst v0  }
0x2b: {  	[tilespmem:$0x2AB0] =	vst v0  }
0x2c: {  	[tilespmem:$0x2AC0] =	vst v0  }
0x2d: {  	[tilespmem:$0x2AD0] =	vst v0  }
0x2e: {  	[tilespmem:$0x2AE0] =	vst v0  }
0x2f: {  	[tilespmem:$0x2AF0] =	vst v0  }
0x30: {  	[tilespmem:$0x2B00] =	vst v0  }
0x31: {  	[tilespmem:$0x2B10] =	vst v0  }
0x32: {  	[tilespmem:$0x2B20] =	vst v0  }
0x33: {  	[tilespmem:$0x2B30] =	vst v0  }
0x34: {  	[tilespmem:$0x2B40] =	vst v0  }
0x35: {  	[tilespmem:$0x2B50] =	vst v0  }
0x36: {  	[tilespmem:$0x2B60] =	vst v0  }
0x37: {  	[tilespmem:$0x2B70] =	vst v0  }
0x38: {  	[tilespmem:$0x2B80] =	vst v0  }
0x39: {  	[tilespmem:$0x2B90] =	vst v0  }
0x3a: {  	[tilespmem:$0x2BA0] =	vst v0  }
0x3b: {  	[tilespmem:$0x2BB0] =	vst v0  }
0x3c: {  	[tilespmem:$0x2BC0] =	vst v0  }
0x3d: {  	[tilespmem:$0x2BD0] =	vst v0  }
0x3e: {  	[tilespmem:$0x2BE0] =	vst v0  }
0x3f: {  	[tilespmem:$0x2BF0] =	vst v0  }
0x40: {  	[tilespmem:$0x2C00] =	vst v0  }
0x41: {  	[tilespmem:$0x2C10] =	vst v0  }
0x42: {  	[tilespmem:$0x2C20] =	vst v0  }
0x43: {  	[tilespmem:$0x2C30] =	vst v0  }
0x44: {  	[tilespmem:$0x2C40] =	vst v0  }
0x45: {  	[tilespmem:$0x2C50] =	vst v0  }
0x46: {  	[tilespmem:$0x2C60] =	vst v0  }
0x47: {  	[tilespmem:$0x2C70] =	vst v0  }
0x48: {  	[tilespmem:$0x2C80] =	vst v0  }
0x49: {  	[tilespmem:$0x2C90] =	vst v0  }
0x4a: {  	[tilespmem:$0x2CA0] =	vst v0  }
0x4b: {  	[tilespmem:$0x2CB0] =	vst v0  }
0x4c: {  	[tilespmem:$0x2CC0] =	vst v0  }
0x4d: {  	[tilespmem:$0x2CD0] =	vst v0  }
0x4e: {  	[tilespmem:$0x2CE0] =	vst v0  }
0x4f: {  	[tilespmem:$0x2CF0] =	vst v0;
	s19 =	sadd.s32 $0x0, s5  }
0x50: {  	[spmem:s19] =	stream.linear.scatter [tilespmem:s10], [sflag:$0x2], $0x400, $0x38;
	[tilespmem:$0x16D00] =	vst v63  }
0x51: {  	s19 =	simm.s32 $0x1000;
	_ =	swait.ge [sflag:s11], $0x400  }
.LBB2_2:
0x52: {  	s20 =	sshra.s32 s19, $0x2;
	[sflag:s11] =	ssyncset.done $0x0;
	p0 =	sne.s32 s19, $0x4F000  }
.Ltmp0:
0x53: {  	s20 =	sadd.s32 s20, s5;
	[sflag:s11] =	ssyncadd.s32 $0xFFFFFC00;
	(pc) =	sbr.rel @p0 .LBB2_2-.Ltmp0, $3  }
0x54: {  	[spmem:s20] =	stream.linear.scatter [tilespmem:s10], [sflag:$0x2], $0x400, $0x38;
	[tilespmem:$0x16D00] =	vst v63  }
0x55: {  	s19 =	sadd.s32 $0x1000, s19;
	_ =	sdelay $0x1  }
0x56: {  	_ =	swait.ge [sflag:s11], $0x400  }
0x57: {  	[sflag:s11] =	ssyncset.done $0x0  }
0x58: {  	[sflag:s11] =	ssyncadd.s32 $0xFFFFFC00  }
0x59: {  	s19 =	sadd.s32 $0x0, s9;
	[bflag:$0x0] =	sbarrier.arrive $0xFFFF  }
0x5a: {  	[tilespmem:s3], [sflag:$0x2] =	stream.linear.gather [hbm4b:s19+s3], $0x50, $0x38;
	[tilespmem:$0x16D00] =	vst v63  }
0x5b: {  	_ =	swait.ge [sflag:s11], $0x50  }
0x5c: {  	[sflag:s11] =	ssyncset.done $0x0  }
0x5d: {  	[sflag:s11] =	ssyncadd.s32 $0xFFFFFFB0  }
0x5e: {  	[tilespmem:s13], [sflag:$0x1] =	stream.indirect.gather [hbm4b:s4+s12], $0x80, s3, s12, $0xb8;
	[tilespmem:$0x16D00] =	vst v63  }
0x5f: {  	_ =	swait.ge [sflag:s14], $0x2800  }
0x60: {  	[sflag:s14] =	ssyncset.done $0x0  }
0x61: {  	s31 =	sadd.s32 $0x0, s8;
	[sflag:s14] =	ssyncadd.s32 $0xFFFFD800  }
0x62: {  	[tilespmem:s15], [sflag:$0x2] =	stream.linear.gather [hbm4b:s31+s3], $0x50, $0x38;
	[tilespmem:$0x16D00] =	vst v63  }
0x63: {  	_ =	swait.ge [sflag:s11], $0x50  }
0x64: {  	[sflag:s11] =	ssyncset.done $0x0  }
0x65: {  	[sflag:s11] =	ssyncadd.s32 $0xFFFFFFB0  }
0x66: {  	[spmem:s1] =	stream.indirect.scatter.add.f32 [tilespmem:s13], [sflag:$0x2], $0x80, s15, s12, $0xb8;
	[tilespmem:$0x16D00] =	vst v63  }
0x67: {  	_ =	swait.ge [sflag:s11], $0x2800  }
0x68: {  	s20 =	simm.s32 $0x14;
	s19 =	simm.s32 $0xA;
	[sflag:s11] =	ssyncset.done $0x0  }
.LBB2_4:
0x69: {  	s21 =	sadd.s32 s19, s9  }
0x6a: {  	[sflag:s11] =	ssyncadd.s32 $0xFFFFD800;
	s22 =	smov.u32 s20;
	s23 =	sadd.s32 $0xA, s20  }
0x6b: {  	[tilespmem:s3], [sflag:$0x2] =	stream.linear.gather [hbm4b:s21+s3], $0x50, $0x38;
	[tilespmem:$0x16D00] =	vst v63  }
0x6c: {  	p0 =	sne.s32 s20, $0x4D8;
	_ =	swait.ge [sflag:s11], $0x50  }
0x6d: {  	[sflag:s11] =	ssyncset.done $0x0  }
0x6e: {  	[sflag:s11] =	ssyncadd.s32 $0xFFFFFFB0  }
0x6f: {  	[tilespmem:s13], [sflag:$0x1] =	stream.indirect.gather [hbm4b:s4+s12], $0x80, s3, s12, $0xb8;
	[tilespmem:$0x16D00] =	vst v63  }
0x70: {  	_ =	swait.ge [sflag:s14], $0x2800  }
0x71: {  	[sflag:s14] =	ssyncset.done $0x0  }
0x72: {  	s20 =	sadd.s32 s19, s8;
	s19 =	smov.u32 s22;
	[sflag:s14] =	ssyncadd.s32 $0xFFFFD800  }
0x73: {  	[tilespmem:s15], [sflag:$0x2] =	stream.linear.gather [hbm4b:s20+s3], $0x50, $0x38;
	[tilespmem:$0x16D00] =	vst v63  }
0x74: {  	_ =	swait.ge [sflag:s11], $0x50  }
.Ltmp1:
0x75: {  	[sflag:s11] =	ssyncset.done $0x0;
	(pc) =	sbr.rel @p0 .LBB2_4-.Ltmp1, $4  }
0x76: {  	[sflag:s11] =	ssyncadd.s32 $0xFFFFFFB0  }
0x77: {  	[spmem:s1] =	stream.indirect.scatter.add.f32 [tilespmem:s13], [sflag:$0x2], $0x80, s15, s12, $0xb8;
	[tilespmem:$0x16D00] =	vst v63  }
0x78: {  	_ =	swait.ge [sflag:s11], $0x2800  }
0x79: {  	s20 =	smov.u32 s23;
	[sflag:s11] =	ssyncset.done $0x0  }
0x7a: {  	s20 =	sadd.s32 s19, s9;
	[sflag:s11] =	ssyncadd.s32 $0xFFFFD800  }
0x7b: {  	[tilespmem:s3], [sflag:$0x2] =	stream.linear.gather [hbm4b:s20+s3], $0x50, $0x38;
	[tilespmem:$0x16D00] =	vst v63  }
0x7c: {  	_ =	swait.ge [sflag:s11], $0x50  }
0x7d: {  	[sflag:s11] =	ssyncset.done $0x0  }
0x7e: {  	[sflag:s11] =	ssyncadd.s32 $0xFFFFFFB0  }
0x7f: {  	[tilespmem:s13], [sflag:$0x1] =	stream.indirect.gather [hbm4b:s4+s12], $0x80, s3, s12, $0xb8;
	[tilespmem:$0x16D00] =	vst v63  }
0x80: {  	_ =	swait.ge [sflag:s14], $0x2800  }
0x81: {  	[sflag:s14] =	ssyncset.done $0x0  }
0x82: {  	s31 =	sadd.s32 s19, s8;
	[sflag:s14] =	ssyncadd.s32 $0xFFFFD800  }
0x83: {  	[tilespmem:s15], [sflag:$0x2] =	stream.linear.gather [hbm4b:s31+s3], $0x50, $0x38;
	[tilespmem:$0x16D00] =	vst v63  }
0x84: {  	_ =	swait.ge [sflag:s11], $0x50  }
0x85: {  	[sflag:s11] =	ssyncset.done $0x0  }
0x86: {  	[sflag:s11] =	ssyncadd.s32 $0xFFFFFFB0  }
0x87: {  	[spmem:s1] =	stream.indirect.scatter.add.f32 [tilespmem:s13], [sflag:$0x2], $0x80, s15, s12, $0xb8;
	[tilespmem:$0x16D00] =	vst v63  }
0x88: {  	_ =	swait.ge [sflag:s11], $0x2800  }
0x89: {  	s18 =	sadd.s32 $0x1, s18;
	[sflag:s11] =	ssyncset.done $0x0  }
0x8a: {  	p0 =	sne.s32 s18, s7;
	[sflag:s11] =	ssyncadd.s32 $0xFFFFD800  }
.Ltmp2:
0x8b: {  	[bflag:$0x0] =	sbarrier.arrive $0xFFFF;
	(pc) =	sbr.rel @p0 .LBB2_1-.Ltmp2, $4  }
0x8c: {  	[hbm:s6], [sflag:s16] =	dma.local [spmem:s17], $0x2800  }
0x8d: {  	_ =	swait.ge [sflag:s11], $0x2800  }
0x8e: {  	[sflag:s11] =	ssyncset.done $0x0  }
0x8f: {  	[sflag:s11] =	ssyncadd.s32 $0xFFFFD800  }
0x90: {  	_ =	sfence.sel $0x180000  }
0x91: {  	[bflag:$0x0] =	sbarrier.arrive $0xFFFF  }
0x92: {  	p0 =	sne.s32 s2, $0x0;
	_ =	strace $0x9000004A  }
0x93: {  	s0 =	sadd.s32 @!p0 $0x100000, s0;
	[bflag:$0x2] =	sbarrier.arrive $0xFFFF  }
0x94: {  	[sflag:s0] =	ssyncadd.tile.s32 @!p0 $0x1;
	_ =	shalt  }
.Lfunc_end2:
_tile_overlayer_lowered:
.L_overlay_start_2:
0x95: {  	(tag) =	ssettag $0x2  }
0x96: {  	s0 =	rddreg [dreg:$0x0];
	s2 =	stileid.u32  }
0x97: {  	s1 =	rddreg [dreg:$0x1];
	p0 =	sne.s32 s2, $0x0  }
0x98: {  	s3 =	rddreg [dreg:$0x2];
	[bflag:$0x3] =	sbarrier.arrive $0xFFFF;
	s2 =	simm.s32 @!p0 $0x1C02  }
0x99: {  	[timem:s3], [sflag:s2] =	dma.local @!p0 [hbm:s0], s1  }
0x9a: {  	s0 =	simm.s32 @!p0 $0x2  }
0x9b: {  	_ =	swait.ge @!p0 [sflag:s0], s1  }
0x9c: {  	s1 =	ssub.s32 @!p0 $0x0, s1;
	[sflag:s0] =	ssyncset.done @!p0 $0x0  }
0x9d: {  	[sflag:s0] =	ssyncadd.s32 @!p0 s1  }
0x9e: {  	[bflag:$0x3] =	sbarrier.arrive $0xFFFF  }
0x9f: {  	_ =	shalt  }

// kernel: kernel.7.cloned.1.call-start
scs
__scs_entry_jumppad:
0x0: {  	(pc) =	sbr.rel $0x88, $3  }
0x1: {  	(tag) =	ssettag $0x0;
	lr =	simm.s32 $0x1  }
0x2: {  	[smem:$0x3F9A] =	sst lr;
	_ =	strace $0xD0000000  }
0x3: {  	_ = 	snop  }
0x4: {  	_ = 	snop  }
0x5: {  	_ = 	snop  }
0x6: {  	_ = 	snop  }
0x7: {  	_ = 	snop  }
__scs_overlays_trampoline_lowered:
0x8: {  	[smem:$0x3FA9] =	sst s0  }
0x9: {  	[smem:$0x3FAA] =	sst s1  }
0xa: {  	[smem:$0x3FAB] =	sst s2  }
0xb: {  	[smem:$0x3FAC] =	sst s3  }
0xc: {  	[smem:$0x3FAD] =	sst s4  }
0xd: {  	[smem:$0x3FAE] =	sst s5  }
0xe: {  	[smem:$0x3FAF] =	sst s6  }
0xf: {  	[smem:$0x3FB0] =	sst s7  }
0x10: {  	[smem:$0x3FB1] =	sst s8  }
0x11: {  	[smem:$0x3FB2] =	sst s9;
	s0 =	simm.s32 @!p0 $0x0  }
0x12: {  	s1 =	sld [smem:$0x3F98];
	s0 =	simm.s32 @p0 $0x1  }
0x13: {  	[smem:$0x3FB3] =	sst s0;
	s0 =	simm.s32 @!p1 $0x0  }
0x14: {  	s2 =	sld [smem:$0x3F97];
	s0 =	simm.s32 @p1 $0x1  }
0x15: {  	[smem:$0x3FB4] =	sst s0;
	s0 =	simm.s32 @!p2 $0x0  }
0x16: {  	s3 =	sld [smem:$0x3FDB];
	s0 =	simm.s32 @p2 $0x1  }
0x17: {  	s4 =	simm.s32 $0x1BF5;
	[smem:$0x3FB6] =	sst s0  }
0x18: {  	s0 =	sld [smem:$0x3F99];
	_ =	swait.ge [sflag:s4], $0x0  }
0x19: {  	s7 =	sld [smem:$0x3F9A]  }
0x1a: {  	s8 =	sadd.s32 $0xFFFFE003, lr  }
0x1b: {  	s9 =	sadd.s32 $0xFFFFFEF7, lr;
	s5 =	simm.s32 $0xFFFFFFFF;
	p2 =	slt.u32 s8, $0xFFFFF086  }
0x1c: {  	p1 =	slt.u32 s9, $0xF7A;
	s5 =	simm.s32 @!p2 $0x0  }
0x1d: {  	s5 =	simm.s32 @p1 $0x1;
	p0 =	seq.s32 s7, s2  }
0x1e: {  	s7 =	smul.u32 @!p0 $0xF7A, s2;
	p2 =	seq.s32 @!p0 s5, $0x0  }
0x1f: {  	s9 =	smul.u32 $0xF7A, s1;
	s8 =	simm.s32 @!p0 $0x1BF5;
	p2 =	por !p2, p0  }
0x20: {  	[sflag:s8] =	ssyncset.s32 @!p0 $0xFFFFF086;
	s6 =	sadd.s32 @!p0 s3, s7;
	s7 =	simm.s32 @!p0 $0x108  }
0x21: {  	s3 =	sadd.s32 s3, s9;
	s6 =	sadd.s32 @!p0 $0x88, s6;
	s7 =	simm.s32 @p2 $0x1082  }
0x22: {  	[simem:s7], [sflag:s8] =	dma.local @!p0 [hbm:s6], $0xF7A  }
0x23: {  	s9 =	sor.u32 $0xD0000000, s2;
	s6 =	simm.s32 $0x108;
	_ =	swait.ge @!p0 [sflag:s8], $0x0  }
0x24: {  	s3 =	sadd.s32 $0x88, s3;
	s6 =	simm.s32 @!p1 $0x1082;
	[sflag:s4] =	ssyncset.s32 $0xFFFFF086  }
0x25: {  	[simem:s6], [sflag:s4] =	dma.local [hbm:s3], $0xF7A  }
0x26: {  	[smem:$0x3F9A] =	sst s1;
	(tag) =	ssettag s2;
	_ =	strace s9  }
0x27: {  	s1 =	sld [smem:$0x3FAA]  }
0x28: {  	s2 =	sld [smem:$0x3FAB]  }
0x29: {  	s4 =	sld [smem:$0x3FAD]  }
0x2a: {  	p0 =	seq.s32 s5, $0x0;
	s5 =	sld [smem:$0x3FAE]  }
0x2b: {  	s6 =	sld [smem:$0x3FAF]  }
0x2c: {  	s7 =	sld [smem:$0x3FB0]  }
0x2d: {  	s3 =	simm.s32 $0x108;
	s8 =	sld [smem:$0x3FB1]  }
0x2e: {  	s3 =	simm.s32 @!p0 $0x1082;
	s9 =	sld [smem:$0x3FB2]  }
0x2f: {  	lr =	sadd.s32 s0, s3;
	s0 =	sld [smem:$0x3FA9]  }
0x30: {  	s3 =	sld [smem:$0x3FAC]  }
0x31: {  	[smem:$0x3FB5] =	sst s10  }
0x32: {  	s10 =	sld [smem:$0x3FB3];
	_ =	sdelay $0x3  }
0x33: {  	p0 =	seq.s32 s10, $0x1;
	s10 =	sld [smem:$0x3FB5];
	_ =	sdelay $0x3  }
0x34: {  	[smem:$0x3FB5] =	sst s10  }
0x35: {  	s10 =	sld [smem:$0x3FB4];
	_ =	sdelay $0x3  }
0x36: {  	p1 =	seq.s32 s10, $0x1;
	s10 =	sld [smem:$0x3FB5];
	_ =	sdelay $0x3  }
0x37: {  	[smem:$0x3FB5] =	sst s10  }
0x38: {  	s10 =	sld [smem:$0x3FB6]  }
0x39: {  	_ = 	snop;
	(pc) =	sbr.ind lr, $3  }
0x3a: {  	_ = 	snop  }
0x3b: {  	_ = 	snop  }
0x3c: {  	p2 =	seq.s32 s10, $0x1;
	s10 =	sld [smem:$0x3FB5]  }
0x3d: {  	_ =	shalt  }
0x3e: {  	_ =	shalt  }
0x3f: {  	_ =	shalt  }
0x40: {  	_ =	shalt  }
0x41: {  	_ =	shalt  }
0x42: {  	_ =	shalt  }
0x43: {  	_ =	shalt  }
0x44: {  	_ =	shalt  }
0x45: {  	_ =	shalt  }
0x46: {  	_ =	shalt  }
0x47: {  	_ =	shalt  }
0x48: {  	_ =	shalt  }
0x49: {  	_ =	shalt  }
0x4a: {  	_ =	shalt  }
0x4b: {  	_ =	shalt  }
0x4c: {  	_ =	shalt  }
0x4d: {  	_ =	shalt  }
0x4e: {  	_ =	shalt  }
0x4f: {  	_ =	shalt  }
0x50: {  	_ =	shalt  }
0x51: {  	_ =	shalt  }
0x52: {  	_ =	shalt  }
0x53: {  	_ =	shalt  }
0x54: {  	_ =	shalt  }
0x55: {  	_ =	shalt  }
0x56: {  	_ =	shalt  }
0x57: {  	_ =	shalt  }
0x58: {  	_ =	shalt  }
0x59: {  	_ =	shalt  }
0x5a: {  	_ =	shalt  }
0x5b: {  	_ =	shalt  }
0x5c: {  	_ =	shalt  }
0x5d: {  	_ =	shalt  }
0x5e: {  	_ =	shalt  }
0x5f: {  	_ =	shalt  }
0x60: {  	_ =	shalt  }
0x61: {  	_ =	shalt  }
0x62: {  	_ =	shalt  }
0x63: {  	_ =	shalt  }
0x64: {  	_ =	shalt  }
0x65: {  	_ =	shalt  }
0x66: {  	_ =	shalt  }
0x67: {  	_ =	shalt  }
0x68: {  	_ =	shalt  }
0x69: {  	_ =	shalt  }
0x6a: {  	_ =	shalt  }
0x6b: {  	_ =	shalt  }
0x6c: {  	_ =	shalt  }
0x6d: {  	_ =	shalt  }
0x6e: {  	_ =	shalt  }
0x6f: {  	_ =	shalt  }
0x70: {  	_ =	shalt  }
0x71: {  	_ =	shalt  }
0x72: {  	_ =	shalt  }
0x73: {  	_ =	shalt  }
0x74: {  	_ =	shalt  }
0x75: {  	_ =	shalt  }
0x76: {  	_ =	shalt  }
0x77: {  	_ =	shalt  }
0x78: {  	_ =	shalt  }
0x79: {  	_ =	shalt  }
0x7a: {  	_ =	shalt  }
0x7b: {  	_ =	shalt  }
0x7c: {  	_ =	shalt  }
0x7d: {  	_ =	shalt  }
0x7e: {  	_ =	shalt  }
0x7f: {  	_ =	shalt  }
0x80: {  	_ =	shalt  }
0x81: {  	_ =	shalt  }
0x82: {  	_ =	shalt  }
0x83: {  	_ =	shalt  }
0x84: {  	_ =	shalt  }
0x85: {  	_ =	shalt  }
0x86: {  	_ =	shalt  }
0x87: {  	_ =	shalt  }
.Lfunc_end0:
.L_simem_size_0:
called_computation_lowered:
.L_overlay_start_0:
0x88: {  	s2 =	sld [smem:$0x3FD9]  }
0x89: {  	s3 =	sld [smem:$0x3FFE];
	_ =	sdelay $0x1  }
0x8a: {  	s1 =	srdreg.scid  }
0x8b: {  	s0 =	sand.u32 $0x1, s1  }
0x8c: {  	s16 =	sshll.u32 s0, $0xA;
	s2 =	sadd.s32 s3, s2  }
0x8d: {  	s2 =	sadd.s32 s2, s16  }
0x8e: {  	[smem:$0x3FC1] =	sst s2  }
0x8f: {  	_ = 	snop  }
0x90: {  	(tm) =	ssettm $0x1  }
0x91: {  	s17 =	sld [smem:$0x3FFB];
	_ =	sdelay $0x3  }
0x92: {  	_ =	strace s17  }
0x93: {  	s2 =	sld [smem:$0x3FFC];
	_ =	sdelay $0x3  }
0x94: {  	_ =	strace s2  }
0x95: {  	s2 =	sld [smem:$0x3FFD];
	_ =	sdelay $0x3  }
0x96: {  	_ =	strace s2  }
0x97: {  	_ =	strace $0x8FFFFFFF  }
0x98: {  	s18 =	sld [smem:$0x3FDB];
	_ =	sdelay $0x1  }
0x99: {  	s19 =	simm.s32 $_scs_section_size  }
0x9a: {  	s4 =	simm.s32 $_size__tile_overlayer_lowered;
	s5 =	simm.s32 $_tile_overlayer_lowered  }
0x9b: {  	s22 =	simm.s32 $0x1BFF;
	s21 =	sshll.u32 s5, $0x1;
	s2 =	sadd.s32 s19, s18  }
0x9c: {  	s6 =	simm.s32 $0x0;
	s20 =	sshll.u32 s4, $0x1;
	s4 =	sadd.s32 s21, s2  }
0x9d: {  	[timem:s6], [sflag:s22] =	dma.local [hbm:s4], s20  }
0x9e: {  	_ =	swait.ge [sflag:s22], s20  }
0x9f: {  	s3 =	ssub.s32 $0x0, s20;
	[sflag:s22] =	ssyncset.done $0x0  }
0xa0: {  	[sflag:s22] =	ssyncadd.s32 s3;
	_ =	sdelay $0x1  }
0xa1: {  	s23 =	simm.s32 $0x1B8B  }
0xa2: {  	_ =	swait.ge [sflag:s23], $0x1  }
0xa3: {  	[sflag:s23] =	ssyncset.done $0x0  }
0xa4: {  	s25 =	simm.s32 $0x1B8E;
	s24 =	sld [smem:$0x3FFE];
	[sflag:s23] =	ssyncadd.s32 $0xFFFFFFFF  }
0xa5: {  	s26 =	simm.s32 $execute0_lowered;
	[smem:$0x3FD2] =	sst s25  }
0xa6: {  	s4 =	sshll.u32 s26, $0x1;
	_ =	strace $0x80000046;
	[dreg:$0x1] =	wrdreg $0xFFFFFFFF  }
0xa7: {  	s28 =	simm.s32 $_size_execute0_lowered;
	s2 =	sadd.s32 s2, s4;
	[dreg:$0x0] =	wrdreg $0x0  }
0xa8: {  	s4 =	sshll.u32 s28, $0x1;
	[dreg:$0x2] =	wrdreg s2  }
0xa9: {  	[dreg:$0x3] =	wrdreg s4  }
0xaa: {  	[dreg:$0x4] =	wrdreg $0xC0  }
0xab: {  	_ =	task [dreg:s6], $0x5FFFF  }
0xac: {  	[dreg:$0x1] =	wrdreg $0xFFFFFFFF  }
0xad: {  	[dreg:$0x0] =	wrdreg $0x60  }
0xae: {  	[dreg:$0x2] =	wrdreg s24  }
0xaf: {  	[dreg:$0x3] =	wrdreg $0x3800  }
0xb0: {  	[dreg:$0x4] =	wrdreg $0x9  }
0xb1: {  	_ =	task.clear_ibuf [dreg:s6], $0x5FFFF;
	_ =	strace $0x90000046  }
0xb2: {  	s29 =	simm.s32 $0x9;
	_ =	strace $0x80000048  }
0xb3: {  	_ =	swait.ge [sflag:s29], $0x1  }
0xb4: {  	[sflag:s29] =	ssyncadd.s32 $0xFFFFFFFF  }
0xb5: {  	_ =	strace $0x90000048  }
0xb6: {  	_ =	sfence  }
0xb7: {  	s30 =	sld [smem:$0x0];
	_ =	sdelay $0x2  }
0xb8: {  	s31 =	sshll.u32 s1, $0xD;
	s1 =	sshrl.u32 s1, $0x2  }
0xb9: {  	s3 =	sand.u32 $0x4000, s31;
	s1 =	sadd.s32 s1, s30  }
0xba: {  	s0 =	sor.u32 s3, s0;
	s1 =	sshll.u32 s1, $0x11  }
0xbb: {  	s0 =	sor.u32 s1, s0  }
0xbc: {  	s0 =	sadd.s32 $0x8F2B, s0  }
0xbd: {  	[sflag:s0] =	ssyncadd.remote.s32 $0x1  }
0xbe: {  	_ =	sfence.sel $0xFFFF  }
0xbf: {  	[dreg:$0x0] =	wrdreg $0xFFFFFFFF;
	(pc) =	sbr.abs _section_cstart, $3  }
0xc0: {  	[dreg:$0x1] =	wrdreg $0xFFFFFFFF  }
0xc1: {  	_ =	task.clear_ibuf [dreg:s6], $0x2FFFF;
	_ =	strace $0x9FFFFFFF  }
0xc2: {  	(tm) =	ssettm $0x7FFFFFFF  }
0xc3: {  	_ =	shalt  }
tec
execute0_lowered:
.L_overlay_start_1:
0x0: {  	(tag) =	ssettag $0x1  }
0x1: {  	s1 =	srdreg.scid  }
0x2: {  	s0 =	stileid.u32;
	s7 =	rddreg [dreg:$0x0]  }
0x3: {  	s2 =	rddreg [dreg:$0x1];
	s3 =	simm.s32 $0x0;
	s5 =	smul.u32 $0x280, s0  }
0x4: {  	s11 =	simm.s32 $0x80;
	s4 =	sand.u32 $0x1, s1;
	s9 =	smul.u32 $0x2710, s0  }
0x5: {  	s12 =	simm.s32 $0x0;
	s1 =	rddreg [dreg:$0x2];
	s6 =	smul.u32 $0x2800, s4  }
0x6: {  	[smem:$0x7FF] =	sst s3;
	s8 =	smul.u32 $0x27100, s4;
	s4 =	ssub.s32 $0x2, s4  }
0x7: {  	_ =	strace $0x80000047;
	s10 =	sshrl.u32 s4, $0x1;
	s6 =	sadd.s32 s5, s6  }
0x8: {  	s10 =	ssub.s32 s4, s10;
	s4 =	sadd.s32 s5, s2;
	s8 =	sadd.s32 s9, s8  }
0x9: {  	s9 =	simm.s32 $0x1;
	s6 =	sshrl.u32 s6, $0x3;
	s8 =	sshrl.u32 s8, $0x3  }
0xa: {  	s6 =	sadd.s32 s6, s7;
	s7 =	sadd.s32 s8, s7;
	s8 =	simm.s32 $0x100  }
0xb: {  	v0 =	vimm.f32 $1.000000000e+00;
	v1 =	vimm.f32 $0.0e+00;
	s5 =	sadd.s32 $0x9E00, s6;
	s6 =	smax.u32 s10, $0x1;
	s10 =	simm.s32 $0x50  }
.LBB2_1:
0xc: {  	[tilespmem:$0x80] =	vst v0  }
0xd: {  	[tilespmem:$0x90] =	vst v0  }
0xe: {  	[tilespmem:$0xA0] =	vst v0  }
0xf: {  	[tilespmem:$0xB0] =	vst v0  }
0x10: {  	[tilespmem:$0xC0] =	vst v0  }
0x11: {  	[tilespmem:$0x100] =	vst v1  }
0x12: {  	[tilespmem:$0x110] =	vst v1  }
0x13: {  	[tilespmem:$0x120] =	vst v1  }
0x14: {  	[tilespmem:$0x130] =	vst v1  }
0x15: {  	[tilespmem:$0x140] =	vst v1  }
0x16: {  	[tilespmem:$0x150] =	vst v1  }
0x17: {  	[tilespmem:$0x160] =	vst v1  }
0x18: {  	[tilespmem:$0x170] =	vst v1  }
0x19: {  	[tilespmem:$0x180] =	vst v1  }
0x1a: {  	[tilespmem:$0x190] =	vst v1  }
0x1b: {  	[tilespmem:$0x1A0] =	vst v1  }
0x1c: {  	[tilespmem:$0x1B0] =	vst v1  }
0x1d: {  	[tilespmem:$0x1C0] =	vst v1  }
0x1e: {  	[tilespmem:$0x1D0] =	vst v1  }
0x1f: {  	[tilespmem:$0x1E0] =	vst v1  }
0x20: {  	[tilespmem:$0x1F0] =	vst v1  }
0x21: {  	[tilespmem:$0x200] =	vst v1  }
0x22: {  	[tilespmem:$0x210] =	vst v1  }
0x23: {  	[tilespmem:$0x220] =	vst v1  }
0x24: {  	[tilespmem:$0x230] =	vst v1  }
0x25: {  	[tilespmem:$0x240] =	vst v1  }
0x26: {  	[tilespmem:$0x250] =	vst v1  }
0x27: {  	[tilespmem:$0x260] =	vst v1  }
0x28: {  	[tilespmem:$0x270] =	vst v1  }
0x29: {  	[tilespmem:$0x280] =	vst v1  }
0x2a: {  	[tilespmem:$0x290] =	vst v1  }
0x2b: {  	[tilespmem:$0x2A0] =	vst v1  }
0x2c: {  	[tilespmem:$0x2B0] =	vst v1  }
0x2d: {  	[tilespmem:$0x2C0] =	vst v1  }
0x2e: {  	[tilespmem:$0x2D0] =	vst v1  }
0x2f: {  	[tilespmem:$0x2E0] =	vst v1  }
0x30: {  	[tilespmem:$0x2F0] =	vst v1  }
0x31: {  	[tilespmem:$0x300] =	vst v1  }
0x32: {  	[tilespmem:$0x310] =	vst v1  }
0x33: {  	[tilespmem:$0x320] =	vst v1  }
0x34: {  	[tilespmem:$0x330] =	vst v1  }
0x35: {  	[tilespmem:$0x340] =	vst v1  }
0x36: {  	[tilespmem:$0x350] =	vst v1  }
0x37: {  	[tilespmem:$0x360] =	vst v1  }
0x38: {  	[tilespmem:$0x370] =	vst v1  }
0x39: {  	[spmem:s4] =	stream.linear.scatter [tilespmem:s8], [sflag:$0x1], $0x280, $0x38;
	[tilespmem:$0x600] =	vst v63  }
0x3a: {  	_ =	swait.ge [sflag:s9], $0x280  }
0x3b: {  	[sflag:s9] =	ssyncset.done $0x0  }
0x3c: {  	[sflag:s9] =	ssyncadd.s32 $0xFFFFFD80  }
0x3d: {  	s13 =	sadd.s32 $0x0, s7;
	[bflag:$0x0] =	sbarrier.arrive $0xFFFF  }
0x3e: {  	[tilespmem:s3], [sflag:$0x1] =	stream.linear.gather [hbm4b:s13+s3], $0x50, $0x38;
	[tilespmem:$0x600] =	vst v63  }
0x3f: {  	_ =	swait.ge [sflag:s9], $0x50  }
0x40: {  	[sflag:s9] =	ssyncset.done $0x0  }
0x41: {  	[sflag:s9] =	ssyncadd.s32 $0xFFFFFFB0  }
0x42: {  	[spmem:s2] =	stream.indirect.scatter.add.f32 [tilespmem:s11], [sflag:$0x1], $0x1, s3, s10, $0xb8;
	[tilespmem:$0x600] =	vst v63  }
0x43: {  	_ =	swait.ge [sflag:s9], $0x50  }
0x44: {  	s14 =	simm.s32 $0x14;
	s13 =	simm.s32 $0xA;
	[sflag:s9] =	ssyncset.done $0x0  }
.LBB2_2:
0x45: {  	s15 =	sadd.s32 s13, s7  }
0x46: {  	[sflag:s9] =	ssyncadd.s32 $0xFFFFFFB0;
	s13 =	smov.u32 s14;
	s16 =	sadd.s32 $0xA, s14  }
0x47: {  	[tilespmem:s3], [sflag:$0x1] =	stream.linear.gather [hbm4b:s15+s3], $0x50, $0x38;
	[tilespmem:$0x600] =	vst v63  }
0x48: {  	p0 =	sne.s32 s14, $0x4D8;
	_ =	swait.ge [sflag:s9], $0x50  }
.Ltmp0:
0x49: {  	[sflag:s9] =	ssyncset.done $0x0;
	(pc) =	sbr.rel @p0 .LBB2_2-.Ltmp0, $4  }
0x4a: {  	[sflag:s9] =	ssyncadd.s32 $0xFFFFFFB0  }
0x4b: {  	[spmem:s2] =	stream.indirect.scatter.add.f32 [tilespmem:s11], [sflag:$0x1], $0x1, s3, s10, $0xb8;
	[tilespmem:$0x600] =	vst v63  }
0x4c: {  	_ =	swait.ge [sflag:s9], $0x50  }
0x4d: {  	s14 =	smov.u32 s16;
	[sflag:s9] =	ssyncset.done $0x0  }
0x4e: {  	s13 =	sadd.s32 s13, s7;
	[sflag:s9] =	ssyncadd.s32 $0xFFFFFFB0  }
0x4f: {  	[tilespmem:s3], [sflag:$0x1] =	stream.linear.gather [hbm4b:s13+s3], $0x50, $0x38;
	[tilespmem:$0x600] =	vst v63  }
0x50: {  	_ =	swait.ge [sflag:s9], $0x50  }
0x51: {  	[sflag:s9] =	ssyncset.done $0x0  }
0x52: {  	[sflag:s9] =	ssyncadd.s32 $0xFFFFFFB0  }
0x53: {  	[spmem:s2] =	stream.indirect.scatter.add.f32 [tilespmem:s11], [sflag:$0x1], $0x1, s3, s10, $0xb8;
	[tilespmem:$0x600] =	vst v63  }
0x54: {  	_ =	swait.ge [sflag:s9], $0x50  }
0x55: {  	[sflag:s9] =	ssyncset.done $0x0  }
0x56: {  	[sflag:s9] =	ssyncadd.s32 $0xFFFFFFB0  }
0x57: {  	[bflag:$0x0] =	sbarrier.arrive $0xFFFF  }
0x58: {  	[tilespmem:s8], [sflag:$0x1] =	stream.linear.gather [spmem:s4], $0x280, $0x38;
	[tilespmem:$0x600] =	vst v63  }
0x59: {  	s12 =	sadd.s32 $0x1, s12;
	_ =	swait.ge [sflag:s9], $0x280  }
0x5a: {  	p0 =	sne.s32 s12, s6;
	[sflag:s9] =	ssyncset.done $0x0  }
.Ltmp1:
0x5b: {  	[sflag:s9] =	ssyncadd.s32 $0xFFFFFD80;
	(pc) =	sbr.rel @p0 .LBB2_1-.Ltmp1, $4  }
0x5c: {  	[hbm4b:s5+s3] =	stream.linear.scatter [tilespmem:s8], [sflag:$0x1], $0x280, $0x38;
	[tilespmem:$0x600] =	vst v63  }
0x5d: {  	_ =	swait.ge [sflag:s9], $0x280  }
0x5e: {  	[sflag:s9] =	ssyncset.done $0x0  }
0x5f: {  	[sflag:s9] =	ssyncadd.s32 $0xFFFFFD80  }
0x60: {  	_ =	sfence.sel $0x180000  }
0x61: {  	[bflag:$0x0] =	sbarrier.arrive $0xFFFF  }
0x62: {  	p0 =	sne.s32 s0, $0x0;
	_ =	strace $0x90000047  }
0x63: {  	s0 =	sadd.s32 @!p0 $0x100000, s1;
	[bflag:$0x2] =	sbarrier.arrive $0xFFFF  }
0x64: {  	[sflag:s0] =	ssyncadd.tile.s32 @!p0 $0x1;
	_ =	shalt  }
.Lfunc_end2:
_tile_overlayer_lowered:
.L_overlay_start_2:
0x65: {  	(tag) =	ssettag $0x2  }
0x66: {  	s0 =	rddreg [dreg:$0x0];
	s2 =	stileid.u32  }
0x67: {  	s1 =	rddreg [dreg:$0x1];
	p0 =	sne.s32 s2, $0x0  }
0x68: {  	s3 =	rddreg [dreg:$0x2];
	[bflag:$0x3] =	sbarrier.arrive $0xFFFF;
	s2 =	simm.s32 @!p0 $0x1C01  }
0x69: {  	[timem:s3], [sflag:s2] =	dma.local @!p0 [hbm:s0], s1  }
0x6a: {  	s0 =	simm.s32 @!p0 $0x1  }
0x6b: {  	_ =	swait.ge @!p0 [sflag:s0], s1  }
0x6c: {  	s1 =	ssub.s32 @!p0 $0x0, s1;
	[sflag:s0] =	ssyncset.done @!p0 $0x0  }
0x6d: {  	[sflag:s0] =	ssyncadd.s32 @!p0 s1  }
0x6e: {  	[bflag:$0x3] =	sbarrier.arrive $0xFFFF  }
0x6f: {  	_ =	shalt  }

</sc_bundles>
